<compile_context>
chip_gen: v7x
topology: tpu7x:2x2x1
jax: 0.10.2.dev20260603
libtpu: 0.0.44.dev20260713+nightly
codegen_flags: <defaults>
</compile_context>

<pallas_src>
import functools

import jax
import jax.numpy as jnp
from jax import lax
from jax.experimental import pallas as pl
from jax.experimental.pallas import tpu as pltpu
from jax.experimental.pallas import tpu_sc as plsc

ALPHA = 0.5
N_NODES = 10000
N_EDGES = 320000
D = 128

NC = 2
NS = 16
NW = NC * NS
CHUNK = 125
TOTAL_CHUNKS = N_EDGES // CHUNK
CHUNKS_PER_W = TOTAL_CHUNKS // NW
ACC_ROWS = 10240
ZROWS = ACC_ROWS // NS
NBUF = 2
HALF_CHUNKS = CHUNKS_PER_W // 2


def _sc_scatter_body(h_hbm, edges_hbm, drain_hbm, out_hbm,
                     src_all, dst_all, rows_v, acc, gsem0, gsem1):
    c = lax.axis_index("c")
    s = lax.axis_index("s")
    wid = s * NC + c
    base = wid * CHUNKS_PER_W

    pltpu.sync_copy(edges_hbm.at[0, pl.ds(base, HALF_CHUNKS)], src_all)
    pltpu.sync_copy(edges_hbm.at[1, pl.ds(base, HALF_CHUNKS)], dst_all)
    zvec = jnp.zeros((16,), jnp.float32)

    def zstore(i, carry):
        rows_v[0, i // 8, pl.ds((i % 8) * 16, 16)] = zvec
        return carry

    lax.fori_loop(0, CHUNK * 8, zstore, 0)
    for k in range(ZROWS // CHUNK):
        pltpu.sync_copy(rows_v.at[0],
                        acc.at[pl.ds(s * ZROWS + k * CHUNK, CHUNK)])
    rem = ZROWS - (ZROWS // CHUNK) * CHUNK
    pltpu.sync_copy(rows_v.at[0, pl.ds(0, rem)],
                    acc.at[pl.ds(s * ZROWS + ZROWS - rem, rem)])
    plsc.subcore_barrier()

    gsems = (gsem0, gsem1)
    for half in range(2):
        hbase = base + half * HALF_CHUNKS
        if half > 0:
            pltpu.sync_copy(edges_hbm.at[0, pl.ds(hbase, HALF_CHUNKS)], src_all)
            pltpu.sync_copy(edges_hbm.at[1, pl.ds(hbase, HALF_CHUNKS)], dst_all)
        for b in range(NBUF):
            pltpu.async_copy(h_hbm.at[src_all.at[b]], rows_v.at[b], gsems[b])

        def group_body(g, carry):
            for b in range(NBUF):
                j = g * NBUF + b
                pltpu.make_async_copy(drain_hbm, rows_v.at[b],
                                      gsems[b]).wait()
                pltpu.sync_copy(rows_v.at[b], acc.at[dst_all.at[j]], add=True)

                @pl.when(j + NBUF < HALF_CHUNKS)
                def _():
                    pltpu.async_copy(h_hbm.at[src_all.at[j + NBUF]],
                                     rows_v.at[b], gsems[b])
            return carry

        lax.fori_loop(0, HALF_CHUNKS // NBUF, group_body, 0)
    plsc.subcore_barrier()

    pltpu.sync_copy(acc.at[pl.ds(s * ZROWS, ZROWS)],
                    out_hbm.at[c, pl.ds(s * ZROWS, ZROWS)])


_sc_scatter = functools.partial(
    pl.kernel,
    out_type=jax.ShapeDtypeStruct((NC, ACC_ROWS, D), jnp.float32),
    mesh=plsc.VectorSubcoreMesh(core_axis_name="c", subcore_axis_name="s"),
    scratch_types=[
        pltpu.VMEM((HALF_CHUNKS, CHUNK), jnp.int32),
        pltpu.VMEM((HALF_CHUNKS, CHUNK), jnp.int32),
        pltpu.VMEM((NBUF, CHUNK, D), jnp.float32),
        pltpu.VMEM_SHARED((ACC_ROWS, D), jnp.float32),
        pltpu.SemaphoreType.DMA,
        pltpu.SemaphoreType.DMA,
    ],
)(_sc_scatter_body)


def _mix_body(h_ref, p_ref, o_ref):
    o_ref[...] = ALPHA * h_ref[...] + (1.0 - ALPHA) * (p_ref[0] + p_ref[1])


def _mix(h, partials):
    blk = 1000
    grid = N_NODES // blk
    spec = pl.BlockSpec((blk, D), lambda i: (i, 0))
    return pl.pallas_call(
        _mix_body,
        out_shape=jax.ShapeDtypeStruct((N_NODES, D), jnp.float32),
        grid=(grid,),
        in_specs=[spec, pl.BlockSpec((NC, blk, D), lambda i: (0, i, 0))],
        out_specs=spec,
    )(h, partials)


def kernel(h, edge_index):
    edges = edge_index.astype(jnp.int32).reshape(2, TOTAL_CHUNKS, CHUNK)
    drain = jnp.zeros((CHUNK, D), jnp.float32)
    partials = _sc_scatter(h, edges, drain)
    return _mix(h, partials)

# --- scband reference (transcript-rebuilt; emitter-appended) ---
"""Pipeline reference for scband-gcnlayer-78675210928244 (READ-ONLY COPY).

The authoritative reference and input builder live on the scoring server;
editing this copy changes nothing except your own understanding.
"""

import jax, jax.numpy as jnp
import numpy as np

ALPHA = 0.5  # args.alpha in the original script (global); treated as a fixed hyperparameter
N_NODES = 10000
N_EDGES = 320000
D_FEAT = 128


def setup_inputs(seed: int = 0) -> dict:
    key = jax.random.key(seed)
    k1, k2 = jax.random.split(key)
    h = jax.random.normal(k1, (N_NODES, D_FEAT), dtype=jnp.float32)
    edge_index = jax.random.randint(k2, (2, N_EDGES), 0, N_NODES, dtype=jnp.int64)
    return {"h": h, "edge_index": edge_index}


def reference(h, edge_index):
    # DGL update_all with copy-src message and sum reduce == scatter-add of
    # source-node features onto destination nodes.
    src = edge_index[0]
    dst = edge_index[1]
    msgs = jnp.take(h, src, axis=0)                      # gather: edge.src['h']
    agg = jax.ops.segment_sum(msgs, dst, num_segments=h.shape[0])  # sum over mailbox
    out = ALPHA * h + (1.0 - ALPHA) * agg                # residual mixing with args.alpha
    return out

if __name__ == "__main__":
    import jax
    _d = setup_inputs()
    print(jax.jit(kernel)(*tuple(_d.values())))

</pallas_src>

<mosaic_0001>
#map = affine_map<(d0, d1) -> (0, 0)>
#map1 = affine_map<(d0, d1) -> (0, 0, 0)>
module attributes {stable_mosaic.version = 14 : i64} {
  func.func @_sc_scatter_body(%arg0: i32, %arg1: i32, %arg2: memref<10000x128xf32, #tpu.memory_space<hbm>>, %arg3: memref<2x2560x125xi32, #tpu.memory_space<hbm>>, %arg4: memref<125x128xf32, #tpu.memory_space<hbm>>, %arg5: memref<2x10240x128xf32, #tpu.memory_space<hbm>>, %arg6: memref<40x125xi32, #tpu.memory_space<vmem>>, %arg7: memref<40x125xi32, #tpu.memory_space<vmem>>, %arg8: memref<2x125x128xf32, #tpu.memory_space<vmem>>, %arg9: memref<10240x128xf32, #tpu.memory_space<vmem_shared>>, %arg10: memref<!tpu.dma_semaphore, #tpu.memory_space<semaphore_mem>>, %arg11: memref<!tpu.dma_semaphore, #tpu.memory_space<semaphore_mem>>) attributes {dimension_semantics = [#tpu.dimension_semantics<core_parallel>, #tpu.dimension_semantics<subcore_parallel>], iteration_bounds = array<i64: 2, 16>, scalar_prefetch = 0 : i64, scratch_operands = 6 : i64, tpu.core_type = #tpu.core_type<sc_vector_subcore>, window_params = [{transform_indices = #map}, {transform_indices = #map1}, {transform_indices = #map}, {transform_indices = #map1}]} {
    %mul3A = arith.constant 2 : i32
    %mul3A_0 = arith.muli %arg1, %mul3A : i32
    %add3A = arith.addi %mul3A_0, %arg0 : i32
    %mul3A_1 = arith.constant 80 : i32
    %mul3A_2 = arith.muli %add3A, %mul3A_1 : i32
    %run_scoped3A = arith.constant 0 : i32
    "tpu.region"() ({
      %run_scoped3A_111 = tpu.sem_alloc : memref<!tpu.dma_semaphore, #tpu.memory_space<semaphore_mem>>
      %dma_start3A_112 = arith.constant 0 : i32
      %dma_start3A_113 = tpu.memref_slice %arg3[%run_scoped3A, %mul3A_2, %dma_start3A_112] : memref<2x2560x125xi32, #tpu.memory_space<hbm>> -> memref<1x40x125xi32, #tpu.memory_space<hbm>>
      %dma_start3A_114 = tpu.memref_squeeze %dma_start3A_113 : memref<1x40x125xi32, #tpu.memory_space<hbm>> -> memref<40x125xi32, #tpu.memory_space<hbm>>
      %dma_start3A_115 = arith.constant 0 : i32
      %dma_start3A_116 = tpu.memref_slice %arg3[%run_scoped3A, %mul3A_2, %dma_start3A_115] : memref<2x2560x125xi32, #tpu.memory_space<hbm>> -> memref<1x40x125xi32, #tpu.memory_space<hbm>>
      %dma_start3A_117 = tpu.memref_squeeze %dma_start3A_116 : memref<1x40x125xi32, #tpu.memory_space<hbm>> -> memref<40x125xi32, #tpu.memory_space<hbm>>
      tpu.enqueue_dma source(%dma_start3A_117 : memref<40x125xi32, #tpu.memory_space<hbm>>) target(%arg6 : memref<40x125xi32, #tpu.memory_space<vmem>>) target_semaphore(%run_scoped3A_111 : memref<!tpu.dma_semaphore, #tpu.memory_space<semaphore_mem>>)
      %dma_wait3A = arith.constant 0 : i32
      %dma_wait3A_118 = tpu.memref_slice %arg3[%run_scoped3A, %mul3A_2, %dma_wait3A] : memref<2x2560x125xi32, #tpu.memory_space<hbm>> -> memref<1x40x125xi32, #tpu.memory_space<hbm>>
      %dma_wait3A_119 = tpu.memref_squeeze %dma_wait3A_118 : memref<1x40x125xi32, #tpu.memory_space<hbm>> -> memref<40x125xi32, #tpu.memory_space<hbm>>
      %dma_wait3A_120 = arith.constant 0 : i32
      %dma_wait3A_121 = tpu.memref_slice %arg3[%run_scoped3A, %mul3A_2, %dma_wait3A_120] : memref<2x2560x125xi32, #tpu.memory_space<hbm>> -> memref<1x40x125xi32, #tpu.memory_space<hbm>>
      %dma_wait3A_122 = tpu.memref_squeeze %dma_wait3A_121 : memref<1x40x125xi32, #tpu.memory_space<hbm>> -> memref<40x125xi32, #tpu.memory_space<hbm>>
      tpu.wait_dma2 semaphore(%run_scoped3A_111 : memref<!tpu.dma_semaphore, #tpu.memory_space<semaphore_mem>>) src(%dma_wait3A_122 : memref<40x125xi32, #tpu.memory_space<hbm>>) dst(%arg6 : memref<40x125xi32, #tpu.memory_space<vmem>>)
      tpu.yield
    }) : () -> ()
    %run_scoped3A_3 = arith.constant 1 : i32
    "tpu.region"() ({
      %run_scoped3A_111 = tpu.sem_alloc : memref<!tpu.dma_semaphore, #tpu.memory_space<semaphore_mem>>
      %dma_start3A_112 = arith.constant 0 : i32
      %dma_start3A_113 = tpu.memref_slice %arg3[%run_scoped3A_3, %mul3A_2, %dma_start3A_112] : memref<2x2560x125xi32, #tpu.memory_space<hbm>> -> memref<1x40x125xi32, #tpu.memory_space<hbm>>
      %dma_start3A_114 = tpu.memref_squeeze %dma_start3A_113 : memref<1x40x125xi32, #tpu.memory_space<hbm>> -> memref<40x125xi32, #tpu.memory_space<hbm>>
      %dma_start3A_115 = arith.constant 0 : i32
      %dma_start3A_116 = tpu.memref_slice %arg3[%run_scoped3A_3, %mul3A_2, %dma_start3A_115] : memref<2x2560x125xi32, #tpu.memory_space<hbm>> -> memref<1x40x125xi32, #tpu.memory_space<hbm>>
      %dma_start3A_117 = tpu.memref_squeeze %dma_start3A_116 : memref<1x40x125xi32, #tpu.memory_space<hbm>> -> memref<40x125xi32, #tpu.memory_space<hbm>>
      tpu.enqueue_dma source(%dma_start3A_117 : memref<40x125xi32, #tpu.memory_space<hbm>>) target(%arg7 : memref<40x125xi32, #tpu.memory_space<vmem>>) target_semaphore(%run_scoped3A_111 : memref<!tpu.dma_semaphore, #tpu.memory_space<semaphore_mem>>)
      %dma_wait3A = arith.constant 0 : i32
      %dma_wait3A_118 = tpu.memref_slice %arg3[%run_scoped3A_3, %mul3A_2, %dma_wait3A] : memref<2x2560x125xi32, #tpu.memory_space<hbm>> -> memref<1x40x125xi32, #tpu.memory_space<hbm>>
      %dma_wait3A_119 = tpu.memref_squeeze %dma_wait3A_118 : memref<1x40x125xi32, #tpu.memory_space<hbm>> -> memref<40x125xi32, #tpu.memory_space<hbm>>
      %dma_wait3A_120 = arith.constant 0 : i32
      %dma_wait3A_121 = tpu.memref_slice %arg3[%run_scoped3A_3, %mul3A_2, %dma_wait3A_120] : memref<2x2560x125xi32, #tpu.memory_space<hbm>> -> memref<1x40x125xi32, #tpu.memory_space<hbm>>
      %dma_wait3A_122 = tpu.memref_squeeze %dma_wait3A_121 : memref<1x40x125xi32, #tpu.memory_space<hbm>> -> memref<40x125xi32, #tpu.memory_space<hbm>>
      tpu.wait_dma2 semaphore(%run_scoped3A_111 : memref<!tpu.dma_semaphore, #tpu.memory_space<semaphore_mem>>) src(%dma_wait3A_122 : memref<40x125xi32, #tpu.memory_space<hbm>>) dst(%arg7 : memref<40x125xi32, #tpu.memory_space<vmem>>)
      tpu.yield
    }) : () -> ()
    %broadcast_in_dim3A = arith.constant 0.000000e+00 : f32
    %broadcast_in_dim3A_4 = vector.broadcast %broadcast_in_dim3A : f32 to vector<16xf32>
    %scan3A = arith.constant 0 : i32
    %scan3A_5 = arith.constant 0 : i32
    %scan3A_6 = arith.constant 1000 : i32
    %scan3A_7 = arith.addi %scan3A_5, %scan3A_6 : i32
    %scan3A_8 = arith.constant 1 : i32
    scf.for %scan3A_111 = %scan3A_5 to %scan3A_7 step %scan3A_8  : i32 {
      %jit3A = arith.constant 8 : i32
      %div3A = arith.divsi %scan3A_111, %jit3A : i32
      %sign3A = arith.constant 0 : i32
      %sign3A_112 = arith.cmpi sgt, %scan3A_111, %sign3A : i32
      %sign3A_113 = arith.extui %sign3A_112 : i1 to i32
      %sign3A_114 = arith.constant 0 : i32
      %sign3A_115 = arith.cmpi slt, %scan3A_111, %sign3A_114 : i32
      %sign3A_116 = arith.extui %sign3A_115 : i1 to i32
      %sign3A_117 = arith.subi %sign3A_113, %sign3A_116 : i32
      %sign3A_118 = arith.constant 0 : i32
      %sign3A_119 = arith.cmpi sgt, %jit3A, %sign3A_118 : i32
      %sign3A_120 = arith.extui %sign3A_119 : i1 to i32
      %sign3A_121 = arith.constant 0 : i32
      %sign3A_122 = arith.cmpi slt, %jit3A, %sign3A_121 : i32
      %sign3A_123 = arith.extui %sign3A_122 : i1 to i32
      %sign3A_124 = arith.subi %sign3A_120, %sign3A_123 : i32
      %ne3A = arith.cmpi ne, %sign3A_117, %sign3A_124 : i32
      %rem3A = arith.remsi %scan3A_111, %jit3A : i32
      %ne3A_125 = arith.constant 0 : i32
      %ne3A_126 = arith.cmpi ne, %rem3A, %ne3A_125 : i32
      %and3A = arith.andi %ne3A, %ne3A_126 : i1
      %sub3A_127 = arith.constant 1 : i32
      %sub3A_128 = arith.subi %div3A, %sub3A_127 : i32
      %select_n3A = arith.select %and3A, %sub3A_128, %div3A : i32
      %jit3A_129 = arith.constant 8 : i32
      %eq3A = arith.constant 0 : i32
      %eq3A_130 = arith.cmpi eq, %jit3A_129, %eq3A : i32
      %jit3A_131 = arith.constant 1 : i32
      %select_n3A_132 = arith.select %eq3A_130, %jit3A_131, %jit3A_129 : i32
      %rem3A_133 = arith.remsi %scan3A_111, %select_n3A_132 : i32
      %ne3A_134 = arith.constant 0 : i32
      %ne3A_135 = arith.cmpi ne, %rem3A_133, %ne3A_134 : i32
      %lt3A = arith.constant 0 : i32
      %lt3A_136 = arith.cmpi slt, %rem3A_133, %lt3A : i32
      %lt3A_137 = arith.constant 0 : i32
      %lt3A_138 = arith.cmpi slt, %select_n3A_132, %lt3A_137 : i32
      %ne3A_139 = arith.xori %lt3A_136, %lt3A_138 : i1
      %and3A_140 = arith.andi %ne3A_139, %ne3A_135 : i1
      %add3A_141 = arith.addi %rem3A_133, %select_n3A_132 : i32
      %select_n3A_142 = arith.select %and3A_140, %add3A_141, %rem3A_133 : i32
      %mul3A_143 = arith.constant 16 : i32
      %mul3A_144 = arith.muli %select_n3A_142, %mul3A_143 : i32
      %swap3A = arith.constant 0 : i32
      %swap3A_145 = arith.index_cast %swap3A : i32 to index
      %swap3A_146 = arith.index_cast %select_n3A : i32 to index
      %swap3A_147 = arith.index_cast %mul3A_144 : i32 to index
      %swap3A_148 = tpu.vector_load %arg8[%swap3A_145, %swap3A_146, %swap3A_147] {strides = array<i32>} : memref<2x125x128xf32, #tpu.memory_space<vmem>>, vector<1x1x16xf32>,
      %swap3A_149 = vector.shape_cast %swap3A_148 : vector<1x1x16xf32> to vector<16xf32>
      %swap3A_150 = vector.shape_cast %broadcast_in_dim3A_4 : vector<16xf32> to vector<1x1x16xf32>
      tpu.vector_store %arg8[%swap3A_145, %swap3A_146, %swap3A_147], %swap3A_150 {strides = array<i32>} : memref<2x125x128xf32, #tpu.memory_space<vmem>>, vector<1x1x16xf32>,
    }
    %scan3A_9 = arith.constant 1000 : i32
    %mul3A_10 = arith.constant 640 : i32
    %mul3A_11 = arith.muli %arg1, %mul3A_10 : i32
    %add3A_12 = arith.constant 0 : i32
    %add3A_13 = arith.addi %mul3A_11, %add3A_12 : i32
    %run_scoped3A_14 = arith.constant 0 : i32
    "tpu.region"() ({
      %run_scoped3A_111 = tpu.sem_alloc : memref<!tpu.dma_semaphore, #tpu.memory_space<semaphore_mem>>
      %dma_start3A_112 = arith.constant 0 : i32
      %dma_start3A_113 = arith.constant 0 : i32
      %dma_start3A_114 = tpu.memref_slice %arg8[%run_scoped3A_14, %dma_start3A_112, %dma_start3A_113] : memref<2x125x128xf32, #tpu.memory_space<vmem>> -> memref<1x125x128xf32, #tpu.memory_space<vmem>>
      %dma_start3A_115 = tpu.memref_squeeze %dma_start3A_114 : memref<1x125x128xf32, #tpu.memory_space<vmem>> -> memref<125x128xf32, #tpu.memory_space<vmem>>
      %dma_start3A_116 = arith.constant 0 : i32
      %dma_start3A_117 = tpu.memref_slice %arg9[%add3A_13, %dma_start3A_116] : memref<10240x128xf32, #tpu.memory_space<vmem_shared>> -> memref<125x128xf32, #tpu.memory_space<vmem_shared>>
      %dma_start3A_118 = arith.constant 0 : i32
      %dma_start3A_119 = tpu.memref_slice %arg9[%add3A_13, %dma_start3A_118] : memref<10240x128xf32, #tpu.memory_space<vmem_shared>> -> memref<125x128xf32, #tpu.memory_space<vmem_shared>>
      %dma_start3A_120 = arith.constant 0 : i32
      %dma_start3A_121 = arith.constant 0 : i32
      %dma_start3A_122 = tpu.memref_slice %arg8[%run_scoped3A_14, %dma_start3A_120, %dma_start3A_121] : memref<2x125x128xf32, #tpu.memory_space<vmem>> -> memref<1x125x128xf32, #tpu.memory_space<vmem>>
      %dma_start3A_123 = tpu.memref_squeeze %dma_start3A_122 : memref<1x125x128xf32, #tpu.memory_space<vmem>> -> memref<125x128xf32, #tpu.memory_space<vmem>>
      tpu.enqueue_dma source(%dma_start3A_123 : memref<125x128xf32, #tpu.memory_space<vmem>>) target(%dma_start3A_119 : memref<125x128xf32, #tpu.memory_space<vmem_shared>>) target_semaphore(%run_scoped3A_111 : memref<!tpu.dma_semaphore, #tpu.memory_space<semaphore_mem>>)
      %dma_wait3A = arith.constant 0 : i32
      %dma_wait3A_124 = arith.constant 0 : i32
      %dma_wait3A_125 = tpu.memref_slice %arg8[%run_scoped3A_14, %dma_wait3A, %dma_wait3A_124] : memref<2x125x128xf32, #tpu.memory_space<vmem>> -> memref<1x125x128xf32, #tpu.memory_space<vmem>>
      %dma_wait3A_126 = tpu.memref_squeeze %dma_wait3A_125 : memref<1x125x128xf32, #tpu.memory_space<vmem>> -> memref<125x128xf32, #tpu.memory_space<vmem>>
      %dma_wait3A_127 = arith.constant 0 : i32
      %dma_wait3A_128 = tpu.memref_slice %arg9[%add3A_13, %dma_wait3A_127] : memref<10240x128xf32, #tpu.memory_space<vmem_shared>> -> memref<125x128xf32, #tpu.memory_space<vmem_shared>>
      %dma_wait3A_129 = arith.constant 0 : i32
      %dma_wait3A_130 = tpu.memref_slice %arg9[%add3A_13, %dma_wait3A_129] : memref<10240x128xf32, #tpu.memory_space<vmem_shared>> -> memref<125x128xf32, #tpu.memory_space<vmem_shared>>
      %dma_wait3A_131 = arith.constant 0 : i32
      %dma_wait3A_132 = arith.constant 0 : i32
      %dma_wait3A_133 = tpu.memref_slice %arg8[%run_scoped3A_14, %dma_wait3A_131, %dma_wait3A_132] : memref<2x125x128xf32, #tpu.memory_space<vmem>> -> memref<1x125x128xf32, #tpu.memory_space<vmem>>
      %dma_wait3A_134 = tpu.memref_squeeze %dma_wait3A_133 : memref<1x125x128xf32, #tpu.memory_space<vmem>> -> memref<125x128xf32, #tpu.memory_space<vmem>>
      tpu.wait_dma2 semaphore(%run_scoped3A_111 : memref<!tpu.dma_semaphore, #tpu.memory_space<semaphore_mem>>) src(%dma_wait3A_134 : memref<125x128xf32, #tpu.memory_space<vmem>>) dst(%dma_wait3A_130 : memref<125x128xf32, #tpu.memory_space<vmem_shared>>)
      tpu.yield
    }) : () -> ()
    %mul3A_15 = arith.constant 640 : i32
    %mul3A_16 = arith.muli %arg1, %mul3A_15 : i32
    %add3A_17 = arith.constant 125 : i32
    %add3A_18 = arith.addi %mul3A_16, %add3A_17 : i32
    %run_scoped3A_19 = arith.constant 0 : i32
    "tpu.region"() ({
      %run_scoped3A_111 = tpu.sem_alloc : memref<!tpu.dma_semaphore, #tpu.memory_space<semaphore_mem>>
      %dma_start3A_112 = arith.constant 0 : i32
      %dma_start3A_113 = arith.constant 0 : i32
      %dma_start3A_114 = tpu.memref_slice %arg8[%run_scoped3A_19, %dma_start3A_112, %dma_start3A_113] : memref<2x125x128xf32, #tpu.memory_space<vmem>> -> memref<1x125x128xf32, #tpu.memory_space<vmem>>
      %dma_start3A_115 = tpu.memref_squeeze %dma_start3A_114 : memref<1x125x128xf32, #tpu.memory_space<vmem>> -> memref<125x128xf32, #tpu.memory_space<vmem>>
      %dma_start3A_116 = arith.constant 0 : i32
      %dma_start3A_117 = tpu.memref_slice %arg9[%add3A_18, %dma_start3A_116] : memref<10240x128xf32, #tpu.memory_space<vmem_shared>> -> memref<125x128xf32, #tpu.memory_space<vmem_shared>>
      %dma_start3A_118 = arith.constant 0 : i32
      %dma_start3A_119 = tpu.memref_slice %arg9[%add3A_18, %dma_start3A_118] : memref<10240x128xf32, #tpu.memory_space<vmem_shared>> -> memref<125x128xf32, #tpu.memory_space<vmem_shared>>
      %dma_start3A_120 = arith.constant 0 : i32
      %dma_start3A_121 = arith.constant 0 : i32
      %dma_start3A_122 = tpu.memref_slice %arg8[%run_scoped3A_19, %dma_start3A_120, %dma_start3A_121] : memref<2x125x128xf32, #tpu.memory_space<vmem>> -> memref<1x125x128xf32, #tpu.memory_space<vmem>>
      %dma_start3A_123 = tpu.memref_squeeze %dma_start3A_122 : memref<1x125x128xf32, #tpu.memory_space<vmem>> -> memref<125x128xf32, #tpu.memory_space<vmem>>
      tpu.enqueue_dma source(%dma_start3A_123 : memref<125x128xf32, #tpu.memory_space<vmem>>) target(%dma_start3A_119 : memref<125x128xf32, #tpu.memory_space<vmem_shared>>) target_semaphore(%run_scoped3A_111 : memref<!tpu.dma_semaphore, #tpu.memory_space<semaphore_mem>>)
      %dma_wait3A = arith.constant 0 : i32
      %dma_wait3A_124 = arith.constant 0 : i32
      %dma_wait3A_125 = tpu.memref_slice %arg8[%run_scoped3A_19, %dma_wait3A, %dma_wait3A_124] : memref<2x125x128xf32, #tpu.memory_space<vmem>> -> memref<1x125x128xf32, #tpu.memory_space<vmem>>
      %dma_wait3A_126 = tpu.memref_squeeze %dma_wait3A_125 : memref<1x125x128xf32, #tpu.memory_space<vmem>> -> memref<125x128xf32, #tpu.memory_space<vmem>>
      %dma_wait3A_127 = arith.constant 0 : i32
      %dma_wait3A_128 = tpu.memref_slice %arg9[%add3A_18, %dma_wait3A_127] : memref<10240x128xf32, #tpu.memory_space<vmem_shared>> -> memref<125x128xf32, #tpu.memory_space<vmem_shared>>
      %dma_wait3A_129 = arith.constant 0 : i32
      %dma_wait3A_130 = tpu.memref_slice %arg9[%add3A_18, %dma_wait3A_129] : memref<10240x128xf32, #tpu.memory_space<vmem_shared>> -> memref<125x128xf32, #tpu.memory_space<vmem_shared>>
      %dma_wait3A_131 = arith.constant 0 : i32
      %dma_wait3A_132 = arith.constant 0 : i32
      %dma_wait3A_133 = tpu.memref_slice %arg8[%run_scoped3A_19, %dma_wait3A_131, %dma_wait3A_132] : memref<2x125x128xf32, #tpu.memory_space<vmem>> -> memref<1x125x128xf32, #tpu.memory_space<vmem>>
      %dma_wait3A_134 = tpu.memref_squeeze %dma_wait3A_133 : memref<1x125x128xf32, #tpu.memory_space<vmem>> -> memref<125x128xf32, #tpu.memory_space<vmem>>
      tpu.wait_dma2 semaphore(%run_scoped3A_111 : memref<!tpu.dma_semaphore, #tpu.memory_space<semaphore_mem>>) src(%dma_wait3A_134 : memref<125x128xf32, #tpu.memory_space<vmem>>) dst(%dma_wait3A_130 : memref<125x128xf32, #tpu.memory_space<vmem_shared>>)
      tpu.yield
    }) : () -> ()
    %mul3A_20 = arith.constant 640 : i32
    %mul3A_21 = arith.muli %arg1, %mul3A_20 : i32
    %add3A_22 = arith.constant 250 : i32
    %add3A_23 = arith.addi %mul3A_21, %add3A_22 : i32
    %run_scoped3A_24 = arith.constant 0 : i32
    "tpu.region"() ({
      %run_scoped3A_111 = tpu.sem_alloc : memref<!tpu.dma_semaphore, #tpu.memory_space<semaphore_mem>>
      %dma_start3A_112 = arith.constant 0 : i32
      %dma_start3A_113 = arith.constant 0 : i32
      %dma_start3A_114 = tpu.memref_slice %arg8[%run_scoped3A_24, %dma_start3A_112, %dma_start3A_113] : memref<2x125x128xf32, #tpu.memory_space<vmem>> -> memref<1x125x128xf32, #tpu.memory_space<vmem>>
      %dma_start3A_115 = tpu.memref_squeeze %dma_start3A_114 : memref<1x125x128xf32, #tpu.memory_space<vmem>> -> memref<125x128xf32, #tpu.memory_space<vmem>>
      %dma_start3A_116 = arith.constant 0 : i32
      %dma_start3A_117 = tpu.memref_slice %arg9[%add3A_23, %dma_start3A_116] : memref<10240x128xf32, #tpu.memory_space<vmem_shared>> -> memref<125x128xf32, #tpu.memory_space<vmem_shared>>
      %dma_start3A_118 = arith.constant 0 : i32
      %dma_start3A_119 = tpu.memref_slice %arg9[%add3A_23, %dma_start3A_118] : memref<10240x128xf32, #tpu.memory_space<vmem_shared>> -> memref<125x128xf32, #tpu.memory_space<vmem_shared>>
      %dma_start3A_120 = arith.constant 0 : i32
      %dma_start3A_121 = arith.constant 0 : i32
      %dma_start3A_122 = tpu.memref_slice %arg8[%run_scoped3A_24, %dma_start3A_120, %dma_start3A_121] : memref<2x125x128xf32, #tpu.memory_space<vmem>> -> memref<1x125x128xf32, #tpu.memory_space<vmem>>
      %dma_start3A_123 = tpu.memref_squeeze %dma_start3A_122 : memref<1x125x128xf32, #tpu.memory_space<vmem>> -> memref<125x128xf32, #tpu.memory_space<vmem>>
      tpu.enqueue_dma source(%dma_start3A_123 : memref<125x128xf32, #tpu.memory_space<vmem>>) target(%dma_start3A_119 : memref<125x128xf32, #tpu.memory_space<vmem_shared>>) target_semaphore(%run_scoped3A_111 : memref<!tpu.dma_semaphore, #tpu.memory_space<semaphore_mem>>)
      %dma_wait3A = arith.constant 0 : i32
      %dma_wait3A_124 = arith.constant 0 : i32
      %dma_wait3A_125 = tpu.memref_slice %arg8[%run_scoped3A_24, %dma_wait3A, %dma_wait3A_124] : memref<2x125x128xf32, #tpu.memory_space<vmem>> -> memref<1x125x128xf32, #tpu.memory_space<vmem>>
      %dma_wait3A_126 = tpu.memref_squeeze %dma_wait3A_125 : memref<1x125x128xf32, #tpu.memory_space<vmem>> -> memref<125x128xf32, #tpu.memory_space<vmem>>
      %dma_wait3A_127 = arith.constant 0 : i32
      %dma_wait3A_128 = tpu.memref_slice %arg9[%add3A_23, %dma_wait3A_127] : memref<10240x128xf32, #tpu.memory_space<vmem_shared>> -> memref<125x128xf32, #tpu.memory_space<vmem_shared>>
      %dma_wait3A_129 = arith.constant 0 : i32
      %dma_wait3A_130 = tpu.memref_slice %arg9[%add3A_23, %dma_wait3A_129] : memref<10240x128xf32, #tpu.memory_space<vmem_shared>> -> memref<125x128xf32, #tpu.memory_space<vmem_shared>>
      %dma_wait3A_131 = arith.constant 0 : i32
      %dma_wait3A_132 = arith.constant 0 : i32
      %dma_wait3A_133 = tpu.memref_slice %arg8[%run_scoped3A_24, %dma_wait3A_131, %dma_wait3A_132] : memref<2x125x128xf32, #tpu.memory_space<vmem>> -> memref<1x125x128xf32, #tpu.memory_space<vmem>>
      %dma_wait3A_134 = tpu.memref_squeeze %dma_wait3A_133 : memref<1x125x128xf32, #tpu.memory_space<vmem>> -> memref<125x128xf32, #tpu.memory_space<vmem>>
      tpu.wait_dma2 semaphore(%run_scoped3A_111 : memref<!tpu.dma_semaphore, #tpu.memory_space<semaphore_mem>>) src(%dma_wait3A_134 : memref<125x128xf32, #tpu.memory_space<vmem>>) dst(%dma_wait3A_130 : memref<125x128xf32, #tpu.memory_space<vmem_shared>>)
      tpu.yield
    }) : () -> ()
    %mul3A_25 = arith.constant 640 : i32
    %mul3A_26 = arith.muli %arg1, %mul3A_25 : i32
    %add3A_27 = arith.constant 375 : i32
    %add3A_28 = arith.addi %mul3A_26, %add3A_27 : i32
    %run_scoped3A_29 = arith.constant 0 : i32
    "tpu.region"() ({
      %run_scoped3A_111 = tpu.sem_alloc : memref<!tpu.dma_semaphore, #tpu.memory_space<semaphore_mem>>
      %dma_start3A_112 = arith.constant 0 : i32
      %dma_start3A_113 = arith.constant 0 : i32
      %dma_start3A_114 = tpu.memref_slice %arg8[%run_scoped3A_29, %dma_start3A_112, %dma_start3A_113] : memref<2x125x128xf32, #tpu.memory_space<vmem>> -> memref<1x125x128xf32, #tpu.memory_space<vmem>>
      %dma_start3A_115 = tpu.memref_squeeze %dma_start3A_114 : memref<1x125x128xf32, #tpu.memory_space<vmem>> -> memref<125x128xf32, #tpu.memory_space<vmem>>
      %dma_start3A_116 = arith.constant 0 : i32
      %dma_start3A_117 = tpu.memref_slice %arg9[%add3A_28, %dma_start3A_116] : memref<10240x128xf32, #tpu.memory_space<vmem_shared>> -> memref<125x128xf32, #tpu.memory_space<vmem_shared>>
      %dma_start3A_118 = arith.constant 0 : i32
      %dma_start3A_119 = tpu.memref_slice %arg9[%add3A_28, %dma_start3A_118] : memref<10240x128xf32, #tpu.memory_space<vmem_shared>> -> memref<125x128xf32, #tpu.memory_space<vmem_shared>>
      %dma_start3A_120 = arith.constant 0 : i32
      %dma_start3A_121 = arith.constant 0 : i32
      %dma_start3A_122 = tpu.memref_slice %arg8[%run_scoped3A_29, %dma_start3A_120, %dma_start3A_121] : memref<2x125x128xf32, #tpu.memory_space<vmem>> -> memref<1x125x128xf32, #tpu.memory_space<vmem>>
      %dma_start3A_123 = tpu.memref_squeeze %dma_start3A_122 : memref<1x125x128xf32, #tpu.memory_space<vmem>> -> memref<125x128xf32, #tpu.memory_space<vmem>>
      tpu.enqueue_dma source(%dma_start3A_123 : memref<125x128xf32, #tpu.memory_space<vmem>>) target(%dma_start3A_119 : memref<125x128xf32, #tpu.memory_space<vmem_shared>>) target_semaphore(%run_scoped3A_111 : memref<!tpu.dma_semaphore, #tpu.memory_space<semaphore_mem>>)
      %dma_wait3A = arith.constant 0 : i32
      %dma_wait3A_124 = arith.constant 0 : i32
      %dma_wait3A_125 = tpu.memref_slice %arg8[%run_scoped3A_29, %dma_wait3A, %dma_wait3A_124] : memref<2x125x128xf32, #tpu.memory_space<vmem>> -> memref<1x125x128xf32, #tpu.memory_space<vmem>>
      %dma_wait3A_126 = tpu.memref_squeeze %dma_wait3A_125 : memref<1x125x128xf32, #tpu.memory_space<vmem>> -> memref<125x128xf32, #tpu.memory_space<vmem>>
      %dma_wait3A_127 = arith.constant 0 : i32
      %dma_wait3A_128 = tpu.memref_slice %arg9[%add3A_28, %dma_wait3A_127] : memref<10240x128xf32, #tpu.memory_space<vmem_shared>> -> memref<125x128xf32, #tpu.memory_space<vmem_shared>>
      %dma_wait3A_129 = arith.constant 0 : i32
      %dma_wait3A_130 = tpu.memref_slice %arg9[%add3A_28, %dma_wait3A_129] : memref<10240x128xf32, #tpu.memory_space<vmem_shared>> -> memref<125x128xf32, #tpu.memory_space<vmem_shared>>
      %dma_wait3A_131 = arith.constant 0 : i32
      %dma_wait3A_132 = arith.constant 0 : i32
      %dma_wait3A_133 = tpu.memref_slice %arg8[%run_scoped3A_29, %dma_wait3A_131, %dma_wait3A_132] : memref<2x125x128xf32, #tpu.memory_space<vmem>> -> memref<1x125x128xf32, #tpu.memory_space<vmem>>
      %dma_wait3A_134 = tpu.memref_squeeze %dma_wait3A_133 : memref<1x125x128xf32, #tpu.memory_space<vmem>> -> memref<125x128xf32, #tpu.memory_space<vmem>>
      tpu.wait_dma2 semaphore(%run_scoped3A_111 : memref<!tpu.dma_semaphore, #tpu.memory_space<semaphore_mem>>) src(%dma_wait3A_134 : memref<125x128xf32, #tpu.memory_space<vmem>>) dst(%dma_wait3A_130 : memref<125x128xf32, #tpu.memory_space<vmem_shared>>)
      tpu.yield
    }) : () -> ()
    %mul3A_30 = arith.constant 640 : i32
    %mul3A_31 = arith.muli %arg1, %mul3A_30 : i32
    %add3A_32 = arith.constant 500 : i32
    %add3A_33 = arith.addi %mul3A_31, %add3A_32 : i32
    %run_scoped3A_34 = arith.constant 0 : i32
    "tpu.region"() ({
      %run_scoped3A_111 = tpu.sem_alloc : memref<!tpu.dma_semaphore, #tpu.memory_space<semaphore_mem>>
      %dma_start3A_112 = arith.constant 0 : i32
      %dma_start3A_113 = arith.constant 0 : i32
      %dma_start3A_114 = tpu.memref_slice %arg8[%run_scoped3A_34, %dma_start3A_112, %dma_start3A_113] : memref<2x125x128xf32, #tpu.memory_space<vmem>> -> memref<1x125x128xf32, #tpu.memory_space<vmem>>
      %dma_start3A_115 = tpu.memref_squeeze %dma_start3A_114 : memref<1x125x128xf32, #tpu.memory_space<vmem>> -> memref<125x128xf32, #tpu.memory_space<vmem>>
      %dma_start3A_116 = arith.constant 0 : i32
      %dma_start3A_117 = tpu.memref_slice %arg9[%add3A_33, %dma_start3A_116] : memref<10240x128xf32, #tpu.memory_space<vmem_shared>> -> memref<125x128xf32, #tpu.memory_space<vmem_shared>>
      %dma_start3A_118 = arith.constant 0 : i32
      %dma_start3A_119 = tpu.memref_slice %arg9[%add3A_33, %dma_start3A_118] : memref<10240x128xf32, #tpu.memory_space<vmem_shared>> -> memref<125x128xf32, #tpu.memory_space<vmem_shared>>
      %dma_start3A_120 = arith.constant 0 : i32
      %dma_start3A_121 = arith.constant 0 : i32
      %dma_start3A_122 = tpu.memref_slice %arg8[%run_scoped3A_34, %dma_start3A_120, %dma_start3A_121] : memref<2x125x128xf32, #tpu.memory_space<vmem>> -> memref<1x125x128xf32, #tpu.memory_space<vmem>>
      %dma_start3A_123 = tpu.memref_squeeze %dma_start3A_122 : memref<1x125x128xf32, #tpu.memory_space<vmem>> -> memref<125x128xf32, #tpu.memory_space<vmem>>
      tpu.enqueue_dma source(%dma_start3A_123 : memref<125x128xf32, #tpu.memory_space<vmem>>) target(%dma_start3A_119 : memref<125x128xf32, #tpu.memory_space<vmem_shared>>) target_semaphore(%run_scoped3A_111 : memref<!tpu.dma_semaphore, #tpu.memory_space<semaphore_mem>>)
      %dma_wait3A = arith.constant 0 : i32
      %dma_wait3A_124 = arith.constant 0 : i32
      %dma_wait3A_125 = tpu.memref_slice %arg8[%run_scoped3A_34, %dma_wait3A, %dma_wait3A_124] : memref<2x125x128xf32, #tpu.memory_space<vmem>> -> memref<1x125x128xf32, #tpu.memory_space<vmem>>
      %dma_wait3A_126 = tpu.memref_squeeze %dma_wait3A_125 : memref<1x125x128xf32, #tpu.memory_space<vmem>> -> memref<125x128xf32, #tpu.memory_space<vmem>>
      %dma_wait3A_127 = arith.constant 0 : i32
      %dma_wait3A_128 = tpu.memref_slice %arg9[%add3A_33, %dma_wait3A_127] : memref<10240x128xf32, #tpu.memory_space<vmem_shared>> -> memref<125x128xf32, #tpu.memory_space<vmem_shared>>
      %dma_wait3A_129 = arith.constant 0 : i32
      %dma_wait3A_130 = tpu.memref_slice %arg9[%add3A_33, %dma_wait3A_129] : memref<10240x128xf32, #tpu.memory_space<vmem_shared>> -> memref<125x128xf32, #tpu.memory_space<vmem_shared>>
      %dma_wait3A_131 = arith.constant 0 : i32
      %dma_wait3A_132 = arith.constant 0 : i32
      %dma_wait3A_133 = tpu.memref_slice %arg8[%run_scoped3A_34, %dma_wait3A_131, %dma_wait3A_132] : memref<2x125x128xf32, #tpu.memory_space<vmem>> -> memref<1x125x128xf32, #tpu.memory_space<vmem>>
      %dma_wait3A_134 = tpu.memref_squeeze %dma_wait3A_133 : memref<1x125x128xf32, #tpu.memory_space<vmem>> -> memref<125x128xf32, #tpu.memory_space<vmem>>
      tpu.wait_dma2 semaphore(%run_scoped3A_111 : memref<!tpu.dma_semaphore, #tpu.memory_space<semaphore_mem>>) src(%dma_wait3A_134 : memref<125x128xf32, #tpu.memory_space<vmem>>) dst(%dma_wait3A_130 : memref<125x128xf32, #tpu.memory_space<vmem_shared>>)
      tpu.yield
    }) : () -> ()
    %mul3A_35 = arith.constant 640 : i32
    %mul3A_36 = arith.muli %arg1, %mul3A_35 : i32
    %add3A_37 = arith.constant 640 : i32
    %add3A_38 = arith.addi %mul3A_36, %add3A_37 : i32
    %sub3A = arith.constant 15 : i32
    %sub3A_39 = arith.subi %add3A_38, %sub3A : i32
    %run_scoped3A_40 = arith.constant 0 : i32
    "tpu.region"() ({
      %run_scoped3A_111 = tpu.sem_alloc : memref<!tpu.dma_semaphore, #tpu.memory_space<semaphore_mem>>
      %dma_start3A_112 = arith.constant 0 : i32
      %dma_start3A_113 = arith.constant 0 : i32
      %dma_start3A_114 = tpu.memref_slice %arg8[%run_scoped3A_40, %dma_start3A_112, %dma_start3A_113] : memref<2x125x128xf32, #tpu.memory_space<vmem>> -> memref<1x15x128xf32, #tpu.memory_space<vmem>>
      %dma_start3A_115 = tpu.memref_squeeze %dma_start3A_114 : memref<1x15x128xf32, #tpu.memory_space<vmem>> -> memref<15x128xf32, #tpu.memory_space<vmem>>
      %dma_start3A_116 = arith.constant 0 : i32
      %dma_start3A_117 = tpu.memref_slice %arg9[%sub3A_39, %dma_start3A_116] : memref<10240x128xf32, #tpu.memory_space<vmem_shared>> -> memref<15x128xf32, #tpu.memory_space<vmem_shared>>
      %dma_start3A_118 = arith.constant 0 : i32
      %dma_start3A_119 = tpu.memref_slice %arg9[%sub3A_39, %dma_start3A_118] : memref<10240x128xf32, #tpu.memory_space<vmem_shared>> -> memref<15x128xf32, #tpu.memory_space<vmem_shared>>
      %dma_start3A_120 = arith.constant 0 : i32
      %dma_start3A_121 = arith.constant 0 : i32
      %dma_start3A_122 = tpu.memref_slice %arg8[%run_scoped3A_40, %dma_start3A_120, %dma_start3A_121] : memref<2x125x128xf32, #tpu.memory_space<vmem>> -> memref<1x15x128xf32, #tpu.memory_space<vmem>>
      %dma_start3A_123 = tpu.memref_squeeze %dma_start3A_122 : memref<1x15x128xf32, #tpu.memory_space<vmem>> -> memref<15x128xf32, #tpu.memory_space<vmem>>
      tpu.enqueue_dma source(%dma_start3A_123 : memref<15x128xf32, #tpu.memory_space<vmem>>) target(%dma_start3A_119 : memref<15x128xf32, #tpu.memory_space<vmem_shared>>) target_semaphore(%run_scoped3A_111 : memref<!tpu.dma_semaphore, #tpu.memory_space<semaphore_mem>>)
      %dma_wait3A = arith.constant 0 : i32
      %dma_wait3A_124 = arith.constant 0 : i32
      %dma_wait3A_125 = tpu.memref_slice %arg8[%run_scoped3A_40, %dma_wait3A, %dma_wait3A_124] : memref<2x125x128xf32, #tpu.memory_space<vmem>> -> memref<1x15x128xf32, #tpu.memory_space<vmem>>
      %dma_wait3A_126 = tpu.memref_squeeze %dma_wait3A_125 : memref<1x15x128xf32, #tpu.memory_space<vmem>> -> memref<15x128xf32, #tpu.memory_space<vmem>>
      %dma_wait3A_127 = arith.constant 0 : i32
      %dma_wait3A_128 = tpu.memref_slice %arg9[%sub3A_39, %dma_wait3A_127] : memref<10240x128xf32, #tpu.memory_space<vmem_shared>> -> memref<15x128xf32, #tpu.memory_space<vmem_shared>>
      %dma_wait3A_129 = arith.constant 0 : i32
      %dma_wait3A_130 = tpu.memref_slice %arg9[%sub3A_39, %dma_wait3A_129] : memref<10240x128xf32, #tpu.memory_space<vmem_shared>> -> memref<15x128xf32, #tpu.memory_space<vmem_shared>>
      %dma_wait3A_131 = arith.constant 0 : i32
      %dma_wait3A_132 = arith.constant 0 : i32
      %dma_wait3A_133 = tpu.memref_slice %arg8[%run_scoped3A_40, %dma_wait3A_131, %dma_wait3A_132] : memref<2x125x128xf32, #tpu.memory_space<vmem>> -> memref<1x15x128xf32, #tpu.memory_space<vmem>>
      %dma_wait3A_134 = tpu.memref_squeeze %dma_wait3A_133 : memref<1x15x128xf32, #tpu.memory_space<vmem>> -> memref<15x128xf32, #tpu.memory_space<vmem>>
      tpu.wait_dma2 semaphore(%run_scoped3A_111 : memref<!tpu.dma_semaphore, #tpu.memory_space<semaphore_mem>>) src(%dma_wait3A_134 : memref<15x128xf32, #tpu.memory_space<vmem>>) dst(%dma_wait3A_130 : memref<15x128xf32, #tpu.memory_space<vmem_shared>>)
      tpu.yield
    }) : () -> ()
    %barrier3A = arith.constant 0 : index
    tpu.barrier barrier_id(%barrier3A)
    %add3A_41 = arith.constant 0 : i32
    %add3A_42 = arith.addi %mul3A_2, %add3A_41 : i32
    %dma_start3A = arith.constant 0 : i32
    %dma_start3A_43 = arith.constant 0 : i32
    %dma_start3A_44 = arith.constant 0 : i32
    %dma_start3A_45 = arith.constant 0 : i32
    %dma_start3A_46 = tpu.memref_slice %arg8[%dma_start3A_43, %dma_start3A_44, %dma_start3A_45] : memref<2x125x128xf32, #tpu.memory_space<vmem>> -> memref<1x125x128xf32, #tpu.memory_space<vmem>>
    %dma_start3A_47 = tpu.memref_squeeze %dma_start3A_46 : memref<1x125x128xf32, #tpu.memory_space<vmem>> -> memref<125x128xf32, #tpu.memory_space<vmem>>
    %dma_start3A_48 = arith.constant 0 : i32
    %dma_start3A_49 = tpu.memref_slice %arg6[%dma_start3A, %dma_start3A_48] : memref<40x125xi32, #tpu.memory_space<vmem>> -> memref<1x125xi32, #tpu.memory_space<vmem>>
    %dma_start3A_50 = tpu.memref_squeeze %dma_start3A_49 : memref<1x125xi32, #tpu.memory_space<vmem>> -> memref<125xi32, #tpu.memory_space<vmem>>
    %dma_start3A_51 = arith.constant 0 : i32
    %dma_start3A_52 = arith.constant 0 : i32
    %dma_start3A_53 = tpu.memref_slice %arg2[%dma_start3A_51, %dma_start3A_52] : memref<10000x128xf32, #tpu.memory_space<hbm>> -> memref<10000x128xf32, #tpu.memory_space<hbm>>
    tpu.enqueue_indirect_dma source(%dma_start3A_53 : memref<10000x128xf32, #tpu.memory_space<hbm>>) target(%dma_start3A_47 : memref<125x128xf32, #tpu.memory_space<vmem>>) offsets(%dma_start3A_50 : memref<125xi32, #tpu.memory_space<vmem>>) semaphore(%arg10 : memref<!tpu.dma_semaphore, #tpu.memory_space<semaphore_mem>>)
    %dma_start3A_54 = arith.constant 1 : i32
    %dma_start3A_55 = arith.constant 1 : i32
    %dma_start3A_56 = arith.constant 0 : i32
    %dma_start3A_57 = arith.constant 0 : i32
    %dma_start3A_58 = tpu.memref_slice %arg8[%dma_start3A_55, %dma_start3A_56, %dma_start3A_57] : memref<2x125x128xf32, #tpu.memory_space<vmem>> -> memref<1x125x128xf32, #tpu.memory_space<vmem>>
    %dma_start3A_59 = tpu.memref_squeeze %dma_start3A_58 : memref<1x125x128xf32, #tpu.memory_space<vmem>> -> memref<125x128xf32, #tpu.memory_space<vmem>>
    %dma_start3A_60 = arith.constant 0 : i32
    %dma_start3A_61 = tpu.memref_slice %arg6[%dma_start3A_54, %dma_start3A_60] : memref<40x125xi32, #tpu.memory_space<vmem>> -> memref<1x125xi32, #tpu.memory_space<vmem>>
    %dma_start3A_62 = tpu.memref_squeeze %dma_start3A_61 : memref<1x125xi32, #tpu.memory_space<vmem>> -> memref<125xi32, #tpu.memory_space<vmem>>
    %dma_start3A_63 = arith.constant 0 : i32
    %dma_start3A_64 = arith.constant 0 : i32
    %dma_start3A_65 = tpu.memref_slice %arg2[%dma_start3A_63, %dma_start3A_64] : memref<10000x128xf32, #tpu.memory_space<hbm>> -> memref<10000x128xf32, #tpu.memory_space<hbm>>
    tpu.enqueue_indirect_dma source(%dma_start3A_65 : memref<10000x128xf32, #tpu.memory_space<hbm>>) target(%dma_start3A_59 : memref<125x128xf32, #tpu.memory_space<vmem>>) offsets(%dma_start3A_62 : memref<125xi32, #tpu.memory_space<vmem>>) semaphore(%arg11 : memref<!tpu.dma_semaphore, #tpu.memory_space<semaphore_mem>>)
    %scan3A_66 = arith.constant 0 : i32
    %scan3A_67 = arith.constant 0 : i32
    %scan3A_68 = arith.constant 20 : i32
    %scan3A_69 = arith.addi %scan3A_67, %scan3A_68 : i32
    %scan3A_70 = arith.constant 1 : i32
    scf.for %scan3A_111 = %scan3A_67 to %scan3A_69 step %scan3A_70  : i32 {
      %mul3A_112 = arith.constant 2 : i32
      %mul3A_113 = arith.muli %scan3A_111, %mul3A_112 : i32
      %add3A_114 = arith.constant 0 : i32
      %add3A_115 = arith.addi %mul3A_113, %add3A_114 : i32
      %dma_wait3A = arith.constant 0 : i32
      %dma_wait3A_116 = arith.constant 0 : i32
      %dma_wait3A_117 = arith.constant 0 : i32
      %dma_wait3A_118 = tpu.memref_slice %arg8[%dma_wait3A, %dma_wait3A_116, %dma_wait3A_117] : memref<2x125x128xf32, #tpu.memory_space<vmem>> -> memref<1x125x128xf32, #tpu.memory_space<vmem>>
      %dma_wait3A_119 = tpu.memref_squeeze %dma_wait3A_118 : memref<1x125x128xf32, #tpu.memory_space<vmem>> -> memref<125x128xf32, #tpu.memory_space<vmem>>
      %dma_wait3A_120 = arith.constant 0 : i32
      %dma_wait3A_121 = arith.constant 0 : i32
      %dma_wait3A_122 = tpu.memref_slice %arg8[%dma_wait3A, %dma_wait3A_120, %dma_wait3A_121] : memref<2x125x128xf32, #tpu.memory_space<vmem>> -> memref<1x125x128xf32, #tpu.memory_space<vmem>>
      %dma_wait3A_123 = tpu.memref_squeeze %dma_wait3A_122 : memref<1x125x128xf32, #tpu.memory_space<vmem>> -> memref<125x128xf32, #tpu.memory_space<vmem>>
      tpu.wait_dma2 semaphore(%arg10 : memref<!tpu.dma_semaphore, #tpu.memory_space<semaphore_mem>>) src(%arg4 : memref<125x128xf32, #tpu.memory_space<hbm>>) dst(%dma_wait3A_123 : memref<125x128xf32, #tpu.memory_space<vmem>>)
      %run_scoped3A_124 = arith.constant 0 : i32
      "tpu.region"() ({
        %run_scoped3A_150 = tpu.sem_alloc : memref<!tpu.dma_semaphore, #tpu.memory_space<semaphore_mem>>
        %dma_start3A_151 = arith.constant 0 : i32
        %dma_start3A_152 = arith.constant 0 : i32
        %dma_start3A_153 = tpu.memref_slice %arg8[%run_scoped3A_124, %dma_start3A_151, %dma_start3A_152] : memref<2x125x128xf32, #tpu.memory_space<vmem>> -> memref<1x125x128xf32, #tpu.memory_space<vmem>>
        %dma_start3A_154 = tpu.memref_squeeze %dma_start3A_153 : memref<1x125x128xf32, #tpu.memory_space<vmem>> -> memref<125x128xf32, #tpu.memory_space<vmem>>
        %dma_start3A_155 = arith.constant 0 : i32
        %dma_start3A_156 = tpu.memref_slice %arg7[%add3A_115, %dma_start3A_155] : memref<40x125xi32, #tpu.memory_space<vmem>> -> memref<1x125xi32, #tpu.memory_space<vmem>>
        %dma_start3A_157 = tpu.memref_squeeze %dma_start3A_156 : memref<1x125xi32, #tpu.memory_space<vmem>> -> memref<125xi32, #tpu.memory_space<vmem>>
        %dma_start3A_158 = arith.constant 0 : i32
        %dma_start3A_159 = arith.constant 0 : i32
        %dma_start3A_160 = tpu.memref_slice %arg9[%dma_start3A_158, %dma_start3A_159] : memref<10240x128xf32, #tpu.memory_space<vmem_shared>> -> memref<10240x128xf32, #tpu.memory_space<vmem_shared>>
        tpu.enqueue_indirect_dma source(%dma_start3A_154 : memref<125x128xf32, #tpu.memory_space<vmem>>) target(%dma_start3A_160 : memref<10240x128xf32, #tpu.memory_space<vmem_shared>>) offsets(%dma_start3A_157 : memref<125xi32, #tpu.memory_space<vmem>>) semaphore(%run_scoped3A_150 : memref<!tpu.dma_semaphore, #tpu.memory_space<semaphore_mem>>) {add = true}
        %dma_wait3A_161 = arith.constant 0 : i32
        %dma_wait3A_162 = arith.constant 0 : i32
        %dma_wait3A_163 = tpu.memref_slice %arg8[%run_scoped3A_124, %dma_wait3A_161, %dma_wait3A_162] : memref<2x125x128xf32, #tpu.memory_space<vmem>> -> memref<1x125x128xf32, #tpu.memory_space<vmem>>
        %dma_wait3A_164 = tpu.memref_squeeze %dma_wait3A_163 : memref<1x125x128xf32, #tpu.memory_space<vmem>> -> memref<125x128xf32, #tpu.memory_space<vmem>>
        %dma_wait3A_165 = arith.constant 0 : i32
        %dma_wait3A_166 = tpu.memref_slice %arg7[%add3A_115, %dma_wait3A_165] : memref<40x125xi32, #tpu.memory_space<vmem>> -> memref<1x125xi32, #tpu.memory_space<vmem>>
        %dma_wait3A_167 = tpu.memref_squeeze %dma_wait3A_166 : memref<1x125xi32, #tpu.memory_space<vmem>> -> memref<125xi32, #tpu.memory_space<vmem>>
        %dma_wait3A_168 = arith.constant 0 : i32
        %dma_wait3A_169 = arith.constant 0 : i32
        %dma_wait3A_170 = tpu.memref_slice %arg9[%dma_wait3A_168, %dma_wait3A_169] : memref<10240x128xf32, #tpu.memory_space<vmem_shared>> -> memref<10240x128xf32, #tpu.memory_space<vmem_shared>>
        tpu.wait_indirect_dma semaphore(%run_scoped3A_150 : memref<!tpu.dma_semaphore, #tpu.memory_space<semaphore_mem>>) src(%dma_wait3A_164 : memref<125x128xf32, #tpu.memory_space<vmem>>) dst(%dma_wait3A_170 : memref<10240x128xf32, #tpu.memory_space<vmem_shared>>)
        tpu.yield
      }) : () -> ()
      %add3A_125 = arith.constant 2 : i32
      %add3A_126 = arith.addi %add3A_115, %add3A_125 : i32
      %lt3A = arith.constant 40 : i32
      %lt3A_127 = arith.cmpi slt, %add3A_126, %lt3A : i32
      %convert_element_type3A = arith.extui %lt3A_127 : i1 to i32
      %cond3A = arith.constant 0 : i32
      %cond3A_128 = arith.cmpi ne, %convert_element_type3A, %cond3A : i32
      scf.if %cond3A_128 {
        %add3A_150 = arith.constant 2 : i32
        %add3A_151 = arith.addi %add3A_115, %add3A_150 : i32
        %dma_start3A_152 = arith.constant 0 : i32
        %dma_start3A_153 = arith.constant 0 : i32
        %dma_start3A_154 = arith.constant 0 : i32
        %dma_start3A_155 = tpu.memref_slice %arg8[%dma_start3A_152, %dma_start3A_153, %dma_start3A_154] : memref<2x125x128xf32, #tpu.memory_space<vmem>> -> memref<1x125x128xf32, #tpu.memory_space<vmem>>
        %dma_start3A_156 = tpu.memref_squeeze %dma_start3A_155 : memref<1x125x128xf32, #tpu.memory_space<vmem>> -> memref<125x128xf32, #tpu.memory_space<vmem>>
        %dma_start3A_157 = arith.constant 0 : i32
        %dma_start3A_158 = tpu.memref_slice %arg6[%add3A_151, %dma_start3A_157] : memref<40x125xi32, #tpu.memory_space<vmem>> -> memref<1x125xi32, #tpu.memory_space<vmem>>
        %dma_start3A_159 = tpu.memref_squeeze %dma_start3A_158 : memref<1x125xi32, #tpu.memory_space<vmem>> -> memref<125xi32, #tpu.memory_space<vmem>>
        %dma_start3A_160 = arith.constant 0 : i32
        %dma_start3A_161 = arith.constant 0 : i32
        %dma_start3A_162 = tpu.memref_slice %arg2[%dma_start3A_160, %dma_start3A_161] : memref<10000x128xf32, #tpu.memory_space<hbm>> -> memref<10000x128xf32, #tpu.memory_space<hbm>>
        tpu.enqueue_indirect_dma source(%dma_start3A_162 : memref<10000x128xf32, #tpu.memory_space<hbm>>) target(%dma_start3A_156 : memref<125x128xf32, #tpu.memory_space<vmem>>) offsets(%dma_start3A_159 : memref<125xi32, #tpu.memory_space<vmem>>) semaphore(%arg10 : memref<!tpu.dma_semaphore, #tpu.memory_space<semaphore_mem>>)
      } else {
      }
      %mul3A_129 = arith.constant 2 : i32
      %mul3A_130 = arith.muli %scan3A_111, %mul3A_129 : i32
      %add3A_131 = arith.constant 1 : i32
      %add3A_132 = arith.addi %mul3A_130, %add3A_131 : i32
      %dma_wait3A_133 = arith.constant 1 : i32
      %dma_wait3A_134 = arith.constant 0 : i32
      %dma_wait3A_135 = arith.constant 0 : i32
      %dma_wait3A_136 = tpu.memref_slice %arg8[%dma_wait3A_133, %dma_wait3A_134, %dma_wait3A_135] : memref<2x125x128xf32, #tpu.memory_space<vmem>> -> memref<1x125x128xf32, #tpu.memory_space<vmem>>
      %dma_wait3A_137 = tpu.memref_squeeze %dma_wait3A_136 : memref<1x125x128xf32, #tpu.memory_space<vmem>> -> memref<125x128xf32, #tpu.memory_space<vmem>>
      %dma_wait3A_138 = arith.constant 0 : i32
      %dma_wait3A_139 = arith.constant 0 : i32
      %dma_wait3A_140 = tpu.memref_slice %arg8[%dma_wait3A_133, %dma_wait3A_138, %dma_wait3A_139] : memref<2x125x128xf32, #tpu.memory_space<vmem>> -> memref<1x125x128xf32, #tpu.memory_space<vmem>>
      %dma_wait3A_141 = tpu.memref_squeeze %dma_wait3A_140 : memref<1x125x128xf32, #tpu.memory_space<vmem>> -> memref<125x128xf32, #tpu.memory_space<vmem>>
      tpu.wait_dma2 semaphore(%arg11 : memref<!tpu.dma_semaphore, #tpu.memory_space<semaphore_mem>>) src(%arg4 : memref<125x128xf32, #tpu.memory_space<hbm>>) dst(%dma_wait3A_141 : memref<125x128xf32, #tpu.memory_space<vmem>>)
      %run_scoped3A_142 = arith.constant 1 : i32
      "tpu.region"() ({
        %run_scoped3A_150 = tpu.sem_alloc : memref<!tpu.dma_semaphore, #tpu.memory_space<semaphore_mem>>
        %dma_start3A_151 = arith.constant 0 : i32
        %dma_start3A_152 = arith.constant 0 : i32
        %dma_start3A_153 = tpu.memref_slice %arg8[%run_scoped3A_142, %dma_start3A_151, %dma_start3A_152] : memref<2x125x128xf32, #tpu.memory_space<vmem>> -> memref<1x125x128xf32, #tpu.memory_space<vmem>>
        %dma_start3A_154 = tpu.memref_squeeze %dma_start3A_153 : memref<1x125x128xf32, #tpu.memory_space<vmem>> -> memref<125x128xf32, #tpu.memory_space<vmem>>
        %dma_start3A_155 = arith.constant 0 : i32
        %dma_start3A_156 = tpu.memref_slice %arg7[%add3A_132, %dma_start3A_155] : memref<40x125xi32, #tpu.memory_space<vmem>> -> memref<1x125xi32, #tpu.memory_space<vmem>>
        %dma_start3A_157 = tpu.memref_squeeze %dma_start3A_156 : memref<1x125xi32, #tpu.memory_space<vmem>> -> memref<125xi32, #tpu.memory_space<vmem>>
        %dma_start3A_158 = arith.constant 0 : i32
        %dma_start3A_159 = arith.constant 0 : i32
        %dma_start3A_160 = tpu.memref_slice %arg9[%dma_start3A_158, %dma_start3A_159] : memref<10240x128xf32, #tpu.memory_space<vmem_shared>> -> memref<10240x128xf32, #tpu.memory_space<vmem_shared>>
        tpu.enqueue_indirect_dma source(%dma_start3A_154 : memref<125x128xf32, #tpu.memory_space<vmem>>) target(%dma_start3A_160 : memref<10240x128xf32, #tpu.memory_space<vmem_shared>>) offsets(%dma_start3A_157 : memref<125xi32, #tpu.memory_space<vmem>>) semaphore(%run_scoped3A_150 : memref<!tpu.dma_semaphore, #tpu.memory_space<semaphore_mem>>) {add = true}
        %dma_wait3A_161 = arith.constant 0 : i32
        %dma_wait3A_162 = arith.constant 0 : i32
        %dma_wait3A_163 = tpu.memref_slice %arg8[%run_scoped3A_142, %dma_wait3A_161, %dma_wait3A_162] : memref<2x125x128xf32, #tpu.memory_space<vmem>> -> memref<1x125x128xf32, #tpu.memory_space<vmem>>
        %dma_wait3A_164 = tpu.memref_squeeze %dma_wait3A_163 : memref<1x125x128xf32, #tpu.memory_space<vmem>> -> memref<125x128xf32, #tpu.memory_space<vmem>>
        %dma_wait3A_165 = arith.constant 0 : i32
        %dma_wait3A_166 = tpu.memref_slice %arg7[%add3A_132, %dma_wait3A_165] : memref<40x125xi32, #tpu.memory_space<vmem>> -> memref<1x125xi32, #tpu.memory_space<vmem>>
        %dma_wait3A_167 = tpu.memref_squeeze %dma_wait3A_166 : memref<1x125xi32, #tpu.memory_space<vmem>> -> memref<125xi32, #tpu.memory_space<vmem>>
        %dma_wait3A_168 = arith.constant 0 : i32
        %dma_wait3A_169 = arith.constant 0 : i32
        %dma_wait3A_170 = tpu.memref_slice %arg9[%dma_wait3A_168, %dma_wait3A_169] : memref<10240x128xf32, #tpu.memory_space<vmem_shared>> -> memref<10240x128xf32, #tpu.memory_space<vmem_shared>>
        tpu.wait_indirect_dma semaphore(%run_scoped3A_150 : memref<!tpu.dma_semaphore, #tpu.memory_space<semaphore_mem>>) src(%dma_wait3A_164 : memref<125x128xf32, #tpu.memory_space<vmem>>) dst(%dma_wait3A_170 : memref<10240x128xf32, #tpu.memory_space<vmem_shared>>)
        tpu.yield
      }) : () -> ()
      %add3A_143 = arith.constant 2 : i32
      %add3A_144 = arith.addi %add3A_132, %add3A_143 : i32
      %lt3A_145 = arith.constant 40 : i32
      %lt3A_146 = arith.cmpi slt, %add3A_144, %lt3A_145 : i32
      %convert_element_type3A_147 = arith.extui %lt3A_146 : i1 to i32
      %cond3A_148 = arith.constant 0 : i32
      %cond3A_149 = arith.cmpi ne, %convert_element_type3A_147, %cond3A_148 : i32
      scf.if %cond3A_149 {
        %add3A_150 = arith.constant 2 : i32
        %add3A_151 = arith.addi %add3A_132, %add3A_150 : i32
        %dma_start3A_152 = arith.constant 1 : i32
        %dma_start3A_153 = arith.constant 0 : i32
        %dma_start3A_154 = arith.constant 0 : i32
        %dma_start3A_155 = tpu.memref_slice %arg8[%dma_start3A_152, %dma_start3A_153, %dma_start3A_154] : memref<2x125x128xf32, #tpu.memory_space<vmem>> -> memref<1x125x128xf32, #tpu.memory_space<vmem>>
        %dma_start3A_156 = tpu.memref_squeeze %dma_start3A_155 : memref<1x125x128xf32, #tpu.memory_space<vmem>> -> memref<125x128xf32, #tpu.memory_space<vmem>>
        %dma_start3A_157 = arith.constant 0 : i32
        %dma_start3A_158 = tpu.memref_slice %arg6[%add3A_151, %dma_start3A_157] : memref<40x125xi32, #tpu.memory_space<vmem>> -> memref<1x125xi32, #tpu.memory_space<vmem>>
        %dma_start3A_159 = tpu.memref_squeeze %dma_start3A_158 : memref<1x125xi32, #tpu.memory_space<vmem>> -> memref<125xi32, #tpu.memory_space<vmem>>
        %dma_start3A_160 = arith.constant 0 : i32
        %dma_start3A_161 = arith.constant 0 : i32
        %dma_start3A_162 = tpu.memref_slice %arg2[%dma_start3A_160, %dma_start3A_161] : memref<10000x128xf32, #tpu.memory_space<hbm>> -> memref<10000x128xf32, #tpu.memory_space<hbm>>
        tpu.enqueue_indirect_dma source(%dma_start3A_162 : memref<10000x128xf32, #tpu.memory_space<hbm>>) target(%dma_start3A_156 : memref<125x128xf32, #tpu.memory_space<vmem>>) offsets(%dma_start3A_159 : memref<125xi32, #tpu.memory_space<vmem>>) semaphore(%arg11 : memref<!tpu.dma_semaphore, #tpu.memory_space<semaphore_mem>>)
      } else {
      }
    }
    %scan3A_71 = arith.constant 20 : i32
    %add3A_72 = arith.constant 40 : i32
    %add3A_73 = arith.addi %mul3A_2, %add3A_72 : i32
    %run_scoped3A_74 = arith.constant 0 : i32
    "tpu.region"() ({
      %run_scoped3A_111 = tpu.sem_alloc : memref<!tpu.dma_semaphore, #tpu.memory_space<semaphore_mem>>
      %dma_start3A_112 = arith.constant 0 : i32
      %dma_start3A_113 = tpu.memref_slice %arg3[%run_scoped3A_74, %add3A_73, %dma_start3A_112] : memref<2x2560x125xi32, #tpu.memory_space<hbm>> -> memref<1x40x125xi32, #tpu.memory_space<hbm>>
      %dma_start3A_114 = tpu.memref_squeeze %dma_start3A_113 : memref<1x40x125xi32, #tpu.memory_space<hbm>> -> memref<40x125xi32, #tpu.memory_space<hbm>>
      %dma_start3A_115 = arith.constant 0 : i32
      %dma_start3A_116 = tpu.memref_slice %arg3[%run_scoped3A_74, %add3A_73, %dma_start3A_115] : memref<2x2560x125xi32, #tpu.memory_space<hbm>> -> memref<1x40x125xi32, #tpu.memory_space<hbm>>
      %dma_start3A_117 = tpu.memref_squeeze %dma_start3A_116 : memref<1x40x125xi32, #tpu.memory_space<hbm>> -> memref<40x125xi32, #tpu.memory_space<hbm>>
      tpu.enqueue_dma source(%dma_start3A_117 : memref<40x125xi32, #tpu.memory_space<hbm>>) target(%arg6 : memref<40x125xi32, #tpu.memory_space<vmem>>) target_semaphore(%run_scoped3A_111 : memref<!tpu.dma_semaphore, #tpu.memory_space<semaphore_mem>>)
      %dma_wait3A = arith.constant 0 : i32
      %dma_wait3A_118 = tpu.memref_slice %arg3[%run_scoped3A_74, %add3A_73, %dma_wait3A] : memref<2x2560x125xi32, #tpu.memory_space<hbm>> -> memref<1x40x125xi32, #tpu.memory_space<hbm>>
      %dma_wait3A_119 = tpu.memref_squeeze %dma_wait3A_118 : memref<1x40x125xi32, #tpu.memory_space<hbm>> -> memref<40x125xi32, #tpu.memory_space<hbm>>
      %dma_wait3A_120 = arith.constant 0 : i32
      %dma_wait3A_121 = tpu.memref_slice %arg3[%run_scoped3A_74, %add3A_73, %dma_wait3A_120] : memref<2x2560x125xi32, #tpu.memory_space<hbm>> -> memref<1x40x125xi32, #tpu.memory_space<hbm>>
      %dma_wait3A_122 = tpu.memref_squeeze %dma_wait3A_121 : memref<1x40x125xi32, #tpu.memory_space<hbm>> -> memref<40x125xi32, #tpu.memory_space<hbm>>
      tpu.wait_dma2 semaphore(%run_scoped3A_111 : memref<!tpu.dma_semaphore, #tpu.memory_space<semaphore_mem>>) src(%dma_wait3A_122 : memref<40x125xi32, #tpu.memory_space<hbm>>) dst(%arg6 : memref<40x125xi32, #tpu.memory_space<vmem>>)
      tpu.yield
    }) : () -> ()
    %run_scoped3A_75 = arith.constant 1 : i32
    "tpu.region"() ({
      %run_scoped3A_111 = tpu.sem_alloc : memref<!tpu.dma_semaphore, #tpu.memory_space<semaphore_mem>>
      %dma_start3A_112 = arith.constant 0 : i32
      %dma_start3A_113 = tpu.memref_slice %arg3[%run_scoped3A_75, %add3A_73, %dma_start3A_112] : memref<2x2560x125xi32, #tpu.memory_space<hbm>> -> memref<1x40x125xi32, #tpu.memory_space<hbm>>
      %dma_start3A_114 = tpu.memref_squeeze %dma_start3A_113 : memref<1x40x125xi32, #tpu.memory_space<hbm>> -> memref<40x125xi32, #tpu.memory_space<hbm>>
      %dma_start3A_115 = arith.constant 0 : i32
      %dma_start3A_116 = tpu.memref_slice %arg3[%run_scoped3A_75, %add3A_73, %dma_start3A_115] : memref<2x2560x125xi32, #tpu.memory_space<hbm>> -> memref<1x40x125xi32, #tpu.memory_space<hbm>>
      %dma_start3A_117 = tpu.memref_squeeze %dma_start3A_116 : memref<1x40x125xi32, #tpu.memory_space<hbm>> -> memref<40x125xi32, #tpu.memory_space<hbm>>
      tpu.enqueue_dma source(%dma_start3A_117 : memref<40x125xi32, #tpu.memory_space<hbm>>) target(%arg7 : memref<40x125xi32, #tpu.memory_space<vmem>>) target_semaphore(%run_scoped3A_111 : memref<!tpu.dma_semaphore, #tpu.memory_space<semaphore_mem>>)
      %dma_wait3A = arith.constant 0 : i32
      %dma_wait3A_118 = tpu.memref_slice %arg3[%run_scoped3A_75, %add3A_73, %dma_wait3A] : memref<2x2560x125xi32, #tpu.memory_space<hbm>> -> memref<1x40x125xi32, #tpu.memory_space<hbm>>
      %dma_wait3A_119 = tpu.memref_squeeze %dma_wait3A_118 : memref<1x40x125xi32, #tpu.memory_space<hbm>> -> memref<40x125xi32, #tpu.memory_space<hbm>>
      %dma_wait3A_120 = arith.constant 0 : i32
      %dma_wait3A_121 = tpu.memref_slice %arg3[%run_scoped3A_75, %add3A_73, %dma_wait3A_120] : memref<2x2560x125xi32, #tpu.memory_space<hbm>> -> memref<1x40x125xi32, #tpu.memory_space<hbm>>
      %dma_wait3A_122 = tpu.memref_squeeze %dma_wait3A_121 : memref<1x40x125xi32, #tpu.memory_space<hbm>> -> memref<40x125xi32, #tpu.memory_space<hbm>>
      tpu.wait_dma2 semaphore(%run_scoped3A_111 : memref<!tpu.dma_semaphore, #tpu.memory_space<semaphore_mem>>) src(%dma_wait3A_122 : memref<40x125xi32, #tpu.memory_space<hbm>>) dst(%arg7 : memref<40x125xi32, #tpu.memory_space<vmem>>)
      tpu.yield
    }) : () -> ()
    %dma_start3A_76 = arith.constant 0 : i32
    %dma_start3A_77 = arith.constant 0 : i32
    %dma_start3A_78 = arith.constant 0 : i32
    %dma_start3A_79 = arith.constant 0 : i32
    %dma_start3A_80 = tpu.memref_slice %arg8[%dma_start3A_77, %dma_start3A_78, %dma_start3A_79] : memref<2x125x128xf32, #tpu.memory_space<vmem>> -> memref<1x125x128xf32, #tpu.memory_space<vmem>>
    %dma_start3A_81 = tpu.memref_squeeze %dma_start3A_80 : memref<1x125x128xf32, #tpu.memory_space<vmem>> -> memref<125x128xf32, #tpu.memory_space<vmem>>
    %dma_start3A_82 = arith.constant 0 : i32
    %dma_start3A_83 = tpu.memref_slice %arg6[%dma_start3A_76, %dma_start3A_82] : memref<40x125xi32, #tpu.memory_space<vmem>> -> memref<1x125xi32, #tpu.memory_space<vmem>>
    %dma_start3A_84 = tpu.memref_squeeze %dma_start3A_83 : memref<1x125xi32, #tpu.memory_space<vmem>> -> memref<125xi32, #tpu.memory_space<vmem>>
    %dma_start3A_85 = arith.constant 0 : i32
    %dma_start3A_86 = arith.constant 0 : i32
    %dma_start3A_87 = tpu.memref_slice %arg2[%dma_start3A_85, %dma_start3A_86] : memref<10000x128xf32, #tpu.memory_space<hbm>> -> memref<10000x128xf32, #tpu.memory_space<hbm>>
    tpu.enqueue_indirect_dma source(%dma_start3A_87 : memref<10000x128xf32, #tpu.memory_space<hbm>>) target(%dma_start3A_81 : memref<125x128xf32, #tpu.memory_space<vmem>>) offsets(%dma_start3A_84 : memref<125xi32, #tpu.memory_space<vmem>>) semaphore(%arg10 : memref<!tpu.dma_semaphore, #tpu.memory_space<semaphore_mem>>)
    %dma_start3A_88 = arith.constant 1 : i32
    %dma_start3A_89 = arith.constant 1 : i32
    %dma_start3A_90 = arith.constant 0 : i32
    %dma_start3A_91 = arith.constant 0 : i32
    %dma_start3A_92 = tpu.memref_slice %arg8[%dma_start3A_89, %dma_start3A_90, %dma_start3A_91] : memref<2x125x128xf32, #tpu.memory_space<vmem>> -> memref<1x125x128xf32, #tpu.memory_space<vmem>>
    %dma_start3A_93 = tpu.memref_squeeze %dma_start3A_92 : memref<1x125x128xf32, #tpu.memory_space<vmem>> -> memref<125x128xf32, #tpu.memory_space<vmem>>
    %dma_start3A_94 = arith.constant 0 : i32
    %dma_start3A_95 = tpu.memref_slice %arg6[%dma_start3A_88, %dma_start3A_94] : memref<40x125xi32, #tpu.memory_space<vmem>> -> memref<1x125xi32, #tpu.memory_space<vmem>>
    %dma_start3A_96 = tpu.memref_squeeze %dma_start3A_95 : memref<1x125xi32, #tpu.memory_space<vmem>> -> memref<125xi32, #tpu.memory_space<vmem>>
    %dma_start3A_97 = arith.constant 0 : i32
    %dma_start3A_98 = arith.constant 0 : i32
    %dma_start3A_99 = tpu.memref_slice %arg2[%dma_start3A_97, %dma_start3A_98] : memref<10000x128xf32, #tpu.memory_space<hbm>> -> memref<10000x128xf32, #tpu.memory_space<hbm>>
    tpu.enqueue_indirect_dma source(%dma_start3A_99 : memref<10000x128xf32, #tpu.memory_space<hbm>>) target(%dma_start3A_93 : memref<125x128xf32, #tpu.memory_space<vmem>>) offsets(%dma_start3A_96 : memref<125xi32, #tpu.memory_space<vmem>>) semaphore(%arg11 : memref<!tpu.dma_semaphore, #tpu.memory_space<semaphore_mem>>)
    %scan3A_100 = arith.constant 0 : i32
    %scan3A_101 = arith.constant 0 : i32
    %scan3A_102 = arith.constant 20 : i32
    %scan3A_103 = arith.addi %scan3A_101, %scan3A_102 : i32
    %scan3A_104 = arith.constant 1 : i32
    scf.for %scan3A_111 = %scan3A_101 to %scan3A_103 step %scan3A_104  : i32 {
      %mul3A_112 = arith.constant 2 : i32
      %mul3A_113 = arith.muli %scan3A_111, %mul3A_112 : i32
      %add3A_114 = arith.constant 0 : i32
      %add3A_115 = arith.addi %mul3A_113, %add3A_114 : i32
      %dma_wait3A = arith.constant 0 : i32
      %dma_wait3A_116 = arith.constant 0 : i32
      %dma_wait3A_117 = arith.constant 0 : i32
      %dma_wait3A_118 = tpu.memref_slice %arg8[%dma_wait3A, %dma_wait3A_116, %dma_wait3A_117] : memref<2x125x128xf32, #tpu.memory_space<vmem>> -> memref<1x125x128xf32, #tpu.memory_space<vmem>>
      %dma_wait3A_119 = tpu.memref_squeeze %dma_wait3A_118 : memref<1x125x128xf32, #tpu.memory_space<vmem>> -> memref<125x128xf32, #tpu.memory_space<vmem>>
      %dma_wait3A_120 = arith.constant 0 : i32
      %dma_wait3A_121 = arith.constant 0 : i32
      %dma_wait3A_122 = tpu.memref_slice %arg8[%dma_wait3A, %dma_wait3A_120, %dma_wait3A_121] : memref<2x125x128xf32, #tpu.memory_space<vmem>> -> memref<1x125x128xf32, #tpu.memory_space<vmem>>
      %dma_wait3A_123 = tpu.memref_squeeze %dma_wait3A_122 : memref<1x125x128xf32, #tpu.memory_space<vmem>> -> memref<125x128xf32, #tpu.memory_space<vmem>>
      tpu.wait_dma2 semaphore(%arg10 : memref<!tpu.dma_semaphore, #tpu.memory_space<semaphore_mem>>) src(%arg4 : memref<125x128xf32, #tpu.memory_space<hbm>>) dst(%dma_wait3A_123 : memref<125x128xf32, #tpu.memory_space<vmem>>)
      %run_scoped3A_124 = arith.constant 0 : i32
      "tpu.region"() ({
        %run_scoped3A_150 = tpu.sem_alloc : memref<!tpu.dma_semaphore, #tpu.memory_space<semaphore_mem>>
        %dma_start3A_151 = arith.constant 0 : i32
        %dma_start3A_152 = arith.constant 0 : i32
        %dma_start3A_153 = tpu.memref_slice %arg8[%run_scoped3A_124, %dma_start3A_151, %dma_start3A_152] : memref<2x125x128xf32, #tpu.memory_space<vmem>> -> memref<1x125x128xf32, #tpu.memory_space<vmem>>
        %dma_start3A_154 = tpu.memref_squeeze %dma_start3A_153 : memref<1x125x128xf32, #tpu.memory_space<vmem>> -> memref<125x128xf32, #tpu.memory_space<vmem>>
        %dma_start3A_155 = arith.constant 0 : i32
        %dma_start3A_156 = tpu.memref_slice %arg7[%add3A_115, %dma_start3A_155] : memref<40x125xi32, #tpu.memory_space<vmem>> -> memref<1x125xi32, #tpu.memory_space<vmem>>
        %dma_start3A_157 = tpu.memref_squeeze %dma_start3A_156 : memref<1x125xi32, #tpu.memory_space<vmem>> -> memref<125xi32, #tpu.memory_space<vmem>>
        %dma_start3A_158 = arith.constant 0 : i32
        %dma_start3A_159 = arith.constant 0 : i32
        %dma_start3A_160 = tpu.memref_slice %arg9[%dma_start3A_158, %dma_start3A_159] : memref<10240x128xf32, #tpu.memory_space<vmem_shared>> -> memref<10240x128xf32, #tpu.memory_space<vmem_shared>>
        tpu.enqueue_indirect_dma source(%dma_start3A_154 : memref<125x128xf32, #tpu.memory_space<vmem>>) target(%dma_start3A_160 : memref<10240x128xf32, #tpu.memory_space<vmem_shared>>) offsets(%dma_start3A_157 : memref<125xi32, #tpu.memory_space<vmem>>) semaphore(%run_scoped3A_150 : memref<!tpu.dma_semaphore, #tpu.memory_space<semaphore_mem>>) {add = true}
        %dma_wait3A_161 = arith.constant 0 : i32
        %dma_wait3A_162 = arith.constant 0 : i32
        %dma_wait3A_163 = tpu.memref_slice %arg8[%run_scoped3A_124, %dma_wait3A_161, %dma_wait3A_162] : memref<2x125x128xf32, #tpu.memory_space<vmem>> -> memref<1x125x128xf32, #tpu.memory_space<vmem>>
        %dma_wait3A_164 = tpu.memref_squeeze %dma_wait3A_163 : memref<1x125x128xf32, #tpu.memory_space<vmem>> -> memref<125x128xf32, #tpu.memory_space<vmem>>
        %dma_wait3A_165 = arith.constant 0 : i32
        %dma_wait3A_166 = tpu.memref_slice %arg7[%add3A_115, %dma_wait3A_165] : memref<40x125xi32, #tpu.memory_space<vmem>> -> memref<1x125xi32, #tpu.memory_space<vmem>>
        %dma_wait3A_167 = tpu.memref_squeeze %dma_wait3A_166 : memref<1x125xi32, #tpu.memory_space<vmem>> -> memref<125xi32, #tpu.memory_space<vmem>>
        %dma_wait3A_168 = arith.constant 0 : i32
        %dma_wait3A_169 = arith.constant 0 : i32
        %dma_wait3A_170 = tpu.memref_slice %arg9[%dma_wait3A_168, %dma_wait3A_169] : memref<10240x128xf32, #tpu.memory_space<vmem_shared>> -> memref<10240x128xf32, #tpu.memory_space<vmem_shared>>
        tpu.wait_indirect_dma semaphore(%run_scoped3A_150 : memref<!tpu.dma_semaphore, #tpu.memory_space<semaphore_mem>>) src(%dma_wait3A_164 : memref<125x128xf32, #tpu.memory_space<vmem>>) dst(%dma_wait3A_170 : memref<10240x128xf32, #tpu.memory_space<vmem_shared>>)
        tpu.yield
      }) : () -> ()
      %add3A_125 = arith.constant 2 : i32
      %add3A_126 = arith.addi %add3A_115, %add3A_125 : i32
      %lt3A = arith.constant 40 : i32
      %lt3A_127 = arith.cmpi slt, %add3A_126, %lt3A : i32
      %convert_element_type3A = arith.extui %lt3A_127 : i1 to i32
      %cond3A = arith.constant 0 : i32
      %cond3A_128 = arith.cmpi ne, %convert_element_type3A, %cond3A : i32
      scf.if %cond3A_128 {
        %add3A_150 = arith.constant 2 : i32
        %add3A_151 = arith.addi %add3A_115, %add3A_150 : i32
        %dma_start3A_152 = arith.constant 0 : i32
        %dma_start3A_153 = arith.constant 0 : i32
        %dma_start3A_154 = arith.constant 0 : i32
        %dma_start3A_155 = tpu.memref_slice %arg8[%dma_start3A_152, %dma_start3A_153, %dma_start3A_154] : memref<2x125x128xf32, #tpu.memory_space<vmem>> -> memref<1x125x128xf32, #tpu.memory_space<vmem>>
        %dma_start3A_156 = tpu.memref_squeeze %dma_start3A_155 : memref<1x125x128xf32, #tpu.memory_space<vmem>> -> memref<125x128xf32, #tpu.memory_space<vmem>>
        %dma_start3A_157 = arith.constant 0 : i32
        %dma_start3A_158 = tpu.memref_slice %arg6[%add3A_151, %dma_start3A_157] : memref<40x125xi32, #tpu.memory_space<vmem>> -> memref<1x125xi32, #tpu.memory_space<vmem>>
        %dma_start3A_159 = tpu.memref_squeeze %dma_start3A_158 : memref<1x125xi32, #tpu.memory_space<vmem>> -> memref<125xi32, #tpu.memory_space<vmem>>
        %dma_start3A_160 = arith.constant 0 : i32
        %dma_start3A_161 = arith.constant 0 : i32
        %dma_start3A_162 = tpu.memref_slice %arg2[%dma_start3A_160, %dma_start3A_161] : memref<10000x128xf32, #tpu.memory_space<hbm>> -> memref<10000x128xf32, #tpu.memory_space<hbm>>
        tpu.enqueue_indirect_dma source(%dma_start3A_162 : memref<10000x128xf32, #tpu.memory_space<hbm>>) target(%dma_start3A_156 : memref<125x128xf32, #tpu.memory_space<vmem>>) offsets(%dma_start3A_159 : memref<125xi32, #tpu.memory_space<vmem>>) semaphore(%arg10 : memref<!tpu.dma_semaphore, #tpu.memory_space<semaphore_mem>>)
      } else {
      }
      %mul3A_129 = arith.constant 2 : i32
      %mul3A_130 = arith.muli %scan3A_111, %mul3A_129 : i32
      %add3A_131 = arith.constant 1 : i32
      %add3A_132 = arith.addi %mul3A_130, %add3A_131 : i32
      %dma_wait3A_133 = arith.constant 1 : i32
      %dma_wait3A_134 = arith.constant 0 : i32
      %dma_wait3A_135 = arith.constant 0 : i32
      %dma_wait3A_136 = tpu.memref_slice %arg8[%dma_wait3A_133, %dma_wait3A_134, %dma_wait3A_135] : memref<2x125x128xf32, #tpu.memory_space<vmem>> -> memref<1x125x128xf32, #tpu.memory_space<vmem>>
      %dma_wait3A_137 = tpu.memref_squeeze %dma_wait3A_136 : memref<1x125x128xf32, #tpu.memory_space<vmem>> -> memref<125x128xf32, #tpu.memory_space<vmem>>
      %dma_wait3A_138 = arith.constant 0 : i32
      %dma_wait3A_139 = arith.constant 0 : i32
      %dma_wait3A_140 = tpu.memref_slice %arg8[%dma_wait3A_133, %dma_wait3A_138, %dma_wait3A_139] : memref<2x125x128xf32, #tpu.memory_space<vmem>> -> memref<1x125x128xf32, #tpu.memory_space<vmem>>
      %dma_wait3A_141 = tpu.memref_squeeze %dma_wait3A_140 : memref<1x125x128xf32, #tpu.memory_space<vmem>> -> memref<125x128xf32, #tpu.memory_space<vmem>>
      tpu.wait_dma2 semaphore(%arg11 : memref<!tpu.dma_semaphore, #tpu.memory_space<semaphore_mem>>) src(%arg4 : memref<125x128xf32, #tpu.memory_space<hbm>>) dst(%dma_wait3A_141 : memref<125x128xf32, #tpu.memory_space<vmem>>)
      %run_scoped3A_142 = arith.constant 1 : i32
      "tpu.region"() ({
        %run_scoped3A_150 = tpu.sem_alloc : memref<!tpu.dma_semaphore, #tpu.memory_space<semaphore_mem>>
        %dma_start3A_151 = arith.constant 0 : i32
        %dma_start3A_152 = arith.constant 0 : i32
        %dma_start3A_153 = tpu.memref_slice %arg8[%run_scoped3A_142, %dma_start3A_151, %dma_start3A_152] : memref<2x125x128xf32, #tpu.memory_space<vmem>> -> memref<1x125x128xf32, #tpu.memory_space<vmem>>
        %dma_start3A_154 = tpu.memref_squeeze %dma_start3A_153 : memref<1x125x128xf32, #tpu.memory_space<vmem>> -> memref<125x128xf32, #tpu.memory_space<vmem>>
        %dma_start3A_155 = arith.constant 0 : i32
        %dma_start3A_156 = tpu.memref_slice %arg7[%add3A_132, %dma_start3A_155] : memref<40x125xi32, #tpu.memory_space<vmem>> -> memref<1x125xi32, #tpu.memory_space<vmem>>
        %dma_start3A_157 = tpu.memref_squeeze %dma_start3A_156 : memref<1x125xi32, #tpu.memory_space<vmem>> -> memref<125xi32, #tpu.memory_space<vmem>>
        %dma_start3A_158 = arith.constant 0 : i32
        %dma_start3A_159 = arith.constant 0 : i32
        %dma_start3A_160 = tpu.memref_slice %arg9[%dma_start3A_158, %dma_start3A_159] : memref<10240x128xf32, #tpu.memory_space<vmem_shared>> -> memref<10240x128xf32, #tpu.memory_space<vmem_shared>>
        tpu.enqueue_indirect_dma source(%dma_start3A_154 : memref<125x128xf32, #tpu.memory_space<vmem>>) target(%dma_start3A_160 : memref<10240x128xf32, #tpu.memory_space<vmem_shared>>) offsets(%dma_start3A_157 : memref<125xi32, #tpu.memory_space<vmem>>) semaphore(%run_scoped3A_150 : memref<!tpu.dma_semaphore, #tpu.memory_space<semaphore_mem>>) {add = true}
        %dma_wait3A_161 = arith.constant 0 : i32
        %dma_wait3A_162 = arith.constant 0 : i32
        %dma_wait3A_163 = tpu.memref_slice %arg8[%run_scoped3A_142, %dma_wait3A_161, %dma_wait3A_162] : memref<2x125x128xf32, #tpu.memory_space<vmem>> -> memref<1x125x128xf32, #tpu.memory_space<vmem>>
        %dma_wait3A_164 = tpu.memref_squeeze %dma_wait3A_163 : memref<1x125x128xf32, #tpu.memory_space<vmem>> -> memref<125x128xf32, #tpu.memory_space<vmem>>
        %dma_wait3A_165 = arith.constant 0 : i32
        %dma_wait3A_166 = tpu.memref_slice %arg7[%add3A_132, %dma_wait3A_165] : memref<40x125xi32, #tpu.memory_space<vmem>> -> memref<1x125xi32, #tpu.memory_space<vmem>>
        %dma_wait3A_167 = tpu.memref_squeeze %dma_wait3A_166 : memref<1x125xi32, #tpu.memory_space<vmem>> -> memref<125xi32, #tpu.memory_space<vmem>>
        %dma_wait3A_168 = arith.constant 0 : i32
        %dma_wait3A_169 = arith.constant 0 : i32
        %dma_wait3A_170 = tpu.memref_slice %arg9[%dma_wait3A_168, %dma_wait3A_169] : memref<10240x128xf32, #tpu.memory_space<vmem_shared>> -> memref<10240x128xf32, #tpu.memory_space<vmem_shared>>
        tpu.wait_indirect_dma semaphore(%run_scoped3A_150 : memref<!tpu.dma_semaphore, #tpu.memory_space<semaphore_mem>>) src(%dma_wait3A_164 : memref<125x128xf32, #tpu.memory_space<vmem>>) dst(%dma_wait3A_170 : memref<10240x128xf32, #tpu.memory_space<vmem_shared>>)
        tpu.yield
      }) : () -> ()
      %add3A_143 = arith.constant 2 : i32
      %add3A_144 = arith.addi %add3A_132, %add3A_143 : i32
      %lt3A_145 = arith.constant 40 : i32
      %lt3A_146 = arith.cmpi slt, %add3A_144, %lt3A_145 : i32
      %convert_element_type3A_147 = arith.extui %lt3A_146 : i1 to i32
      %cond3A_148 = arith.constant 0 : i32
      %cond3A_149 = arith.cmpi ne, %convert_element_type3A_147, %cond3A_148 : i32
      scf.if %cond3A_149 {
        %add3A_150 = arith.constant 2 : i32
        %add3A_151 = arith.addi %add3A_132, %add3A_150 : i32
        %dma_start3A_152 = arith.constant 1 : i32
        %dma_start3A_153 = arith.constant 0 : i32
        %dma_start3A_154 = arith.constant 0 : i32
        %dma_start3A_155 = tpu.memref_slice %arg8[%dma_start3A_152, %dma_start3A_153, %dma_start3A_154] : memref<2x125x128xf32, #tpu.memory_space<vmem>> -> memref<1x125x128xf32, #tpu.memory_space<vmem>>
        %dma_start3A_156 = tpu.memref_squeeze %dma_start3A_155 : memref<1x125x128xf32, #tpu.memory_space<vmem>> -> memref<125x128xf32, #tpu.memory_space<vmem>>
        %dma_start3A_157 = arith.constant 0 : i32
        %dma_start3A_158 = tpu.memref_slice %arg6[%add3A_151, %dma_start3A_157] : memref<40x125xi32, #tpu.memory_space<vmem>> -> memref<1x125xi32, #tpu.memory_space<vmem>>
        %dma_start3A_159 = tpu.memref_squeeze %dma_start3A_158 : memref<1x125xi32, #tpu.memory_space<vmem>> -> memref<125xi32, #tpu.memory_space<vmem>>
        %dma_start3A_160 = arith.constant 0 : i32
        %dma_start3A_161 = arith.constant 0 : i32
        %dma_start3A_162 = tpu.memref_slice %arg2[%dma_start3A_160, %dma_start3A_161] : memref<10000x128xf32, #tpu.memory_space<hbm>> -> memref<10000x128xf32, #tpu.memory_space<hbm>>
        tpu.enqueue_indirect_dma source(%dma_start3A_162 : memref<10000x128xf32, #tpu.memory_space<hbm>>) target(%dma_start3A_156 : memref<125x128xf32, #tpu.memory_space<vmem>>) offsets(%dma_start3A_159 : memref<125xi32, #tpu.memory_space<vmem>>) semaphore(%arg11 : memref<!tpu.dma_semaphore, #tpu.memory_space<semaphore_mem>>)
      } else {
      }
    }
    %scan3A_105 = arith.constant 20 : i32
    %barrier3A_106 = arith.constant 0 : index
    tpu.barrier barrier_id(%barrier3A_106)
    %mul3A_107 = arith.constant 640 : i32
    %mul3A_108 = arith.muli %arg1, %mul3A_107 : i32
    %mul3A_109 = arith.constant 640 : i32
    %mul3A_110 = arith.muli %arg1, %mul3A_109 : i32
    "tpu.region"() ({
      %run_scoped3A_111 = tpu.sem_alloc : memref<!tpu.dma_semaphore, #tpu.memory_space<semaphore_mem>>
      %dma_start3A_112 = arith.constant 0 : i32
      %dma_start3A_113 = tpu.memref_slice %arg5[%arg0, %mul3A_110, %dma_start3A_112] : memref<2x10240x128xf32, #tpu.memory_space<hbm>> -> memref<1x640x128xf32, #tpu.memory_space<hbm>>
      %dma_start3A_114 = tpu.memref_squeeze %dma_start3A_113 : memref<1x640x128xf32, #tpu.memory_space<hbm>> -> memref<640x128xf32, #tpu.memory_space<hbm>>
      %dma_start3A_115 = arith.constant 0 : i32
      %dma_start3A_116 = tpu.memref_slice %arg9[%mul3A_108, %dma_start3A_115] : memref<10240x128xf32, #tpu.memory_space<vmem_shared>> -> memref<640x128xf32, #tpu.memory_space<vmem_shared>>
      tpu.enqueue_dma source(%dma_start3A_116 : memref<640x128xf32, #tpu.memory_space<vmem_shared>>) target(%dma_start3A_114 : memref<640x128xf32, #tpu.memory_space<hbm>>) target_semaphore(%run_scoped3A_111 : memref<!tpu.dma_semaphore, #tpu.memory_space<semaphore_mem>>)
      %dma_wait3A = arith.constant 0 : i32
      %dma_wait3A_117 = tpu.memref_slice %arg5[%arg0, %mul3A_110, %dma_wait3A] : memref<2x10240x128xf32, #tpu.memory_space<hbm>> -> memref<1x640x128xf32, #tpu.memory_space<hbm>>
      %dma_wait3A_118 = tpu.memref_squeeze %dma_wait3A_117 : memref<1x640x128xf32, #tpu.memory_space<hbm>> -> memref<640x128xf32, #tpu.memory_space<hbm>>
      %dma_wait3A_119 = arith.constant 0 : i32
      %dma_wait3A_120 = tpu.memref_slice %arg9[%mul3A_108, %dma_wait3A_119] : memref<10240x128xf32, #tpu.memory_space<vmem_shared>> -> memref<640x128xf32, #tpu.memory_space<vmem_shared>>
      tpu.wait_dma2 semaphore(%run_scoped3A_111 : memref<!tpu.dma_semaphore, #tpu.memory_space<semaphore_mem>>) src(%dma_wait3A_120 : memref<640x128xf32, #tpu.memory_space<vmem_shared>>) dst(%dma_wait3A_118 : memref<640x128xf32, #tpu.memory_space<hbm>>)
      tpu.yield
    }) : () -> ()
    return
  }
}

module attributes {stable_mosaic.version = 14 : i64} {
  func.func @_mix_body(%arg0: i32, %arg1: memref<1000x128xf32, #tpu.memory_space<vmem>>, %arg2: memref<2x1000x128xf32, #tpu.memory_space<vmem>>, %arg3: memref<1000x128xf32, #tpu.memory_space<vmem>>) attributes {dimension_semantics = [#tpu.dimension_semantics<arbitrary>], iteration_bounds = array<i64: 10>, scalar_prefetch = 0 : i64, scratch_operands = 0 : i64, tpu.core_type = #tpu.core_type<tc>, window_params = [{transform_indices = @transform_0, window_bounds = array<i64: 1000, 128>}, {transform_indices = @transform_1, window_bounds = array<i64: 2, 1000, 128>}, {transform_indices = @transform_2, window_bounds = array<i64: 1000, 128>}]} {
    %get3A = arith.constant 0 : index
    %get3A_0 = arith.constant 0 : index
    %get3A_1 = vector.load %arg1[%get3A, %get3A_0] : memref<1000x128xf32, #tpu.memory_space<vmem>>, vector<1000x128xf32>
    %mul3A = arith.constant 5.000000e-01 : f32
    %mul3A_2 = vector.broadcast %mul3A : f32 to vector<1000x128xf32>
    %mul3A_3 = arith.mulf %mul3A_2, %get3A_1 : vector<1000x128xf32>
    %get3A_4 = arith.constant 0 : index
    %get3A_5 = arith.constant 0 : index
    %get3A_6 = arith.constant 0 : index
    %get3A_7 = vector.load %arg2[%get3A_4, %get3A_5, %get3A_6] : memref<2x1000x128xf32, #tpu.memory_space<vmem>>, vector<1x1000x128xf32>
    %get3A_8 = vector.shape_cast %get3A_7 : vector<1x1000x128xf32> to vector<1000x128xf32>
    %get3A_9 = arith.constant 1 : index
    %get3A_10 = arith.constant 0 : index
    %get3A_11 = arith.constant 0 : index
    %get3A_12 = vector.load %arg2[%get3A_9, %get3A_10, %get3A_11] : memref<2x1000x128xf32, #tpu.memory_space<vmem>>, vector<1x1000x128xf32>
    %get3A_13 = vector.shape_cast %get3A_12 : vector<1x1000x128xf32> to vector<1000x128xf32>
    %add3A = arith.addf %get3A_8, %get3A_13 : vector<1000x128xf32>
    %mul3A_14 = arith.constant 5.000000e-01 : f32
    %mul3A_15 = vector.broadcast %mul3A_14 : f32 to vector<1000x128xf32>
    %mul3A_16 = arith.mulf %mul3A_15, %add3A : vector<1000x128xf32>
    %add3A_17 = arith.addf %mul3A_3, %mul3A_16 : vector<1000x128xf32>
    %swap3A = arith.constant 0 : index
    %swap3A_18 = arith.constant 0 : index
    %swap3A_19 = vector.load %arg3[%swap3A, %swap3A_18] : memref<1000x128xf32, #tpu.memory_space<vmem>>, vector<1000x128xf32>
    tpu.vector_store %arg3[%swap3A, %swap3A_18], %add3A_17 {strides = array<i32>} : memref<1000x128xf32, #tpu.memory_space<vmem>>, vector<1000x128xf32>,
    return
  }
  func.func @transform_0(%arg0: i32) -> (i32, i32) {
    %c0_i32 = arith.constant 0 : i32
    %c0_i32_0 = arith.constant 0 : i32
    return %arg0, %c0_i32 : i32, i32
  }
  func.func @transform_1(%arg0: i32) -> (i32, i32, i32) {
    %c0_i32 = arith.constant 0 : i32
    %c0_i32_0 = arith.constant 0 : i32
    %c0_i32_1 = arith.constant 0 : i32
    return %c0_i32, %arg0, %c0_i32_0 : i32, i32, i32
  }
  func.func @transform_2(%arg0: i32) -> (i32, i32) {
    %c0_i32 = arith.constant 0 : i32
    %c0_i32_0 = arith.constant 0 : i32
    return %arg0, %c0_i32 : i32, i32
  }
}

</mosaic_0001>

<sc_bundles>
// kernel: kernel.4.cloned.1.call-start
scs
__scs_entry_jumppad:
0x0: {  	(pc) =	sbr.rel $0x88, $3  }
0x1: {  	(tag) =	ssettag $0x0;
	lr =	simm.s32 $0x1  }
0x2: {  	[smem:$0x3F9F] =	sst lr;
	_ =	strace $0xD0000000  }
0x3: {  	_ = 	snop  }
0x4: {  	_ = 	snop  }
0x5: {  	_ = 	snop  }
0x6: {  	_ = 	snop  }
0x7: {  	_ = 	snop  }
__scs_overlays_trampoline_lowered:
0x8: {  	[smem:$0x3FAE] =	sst s0  }
0x9: {  	[smem:$0x3FAF] =	sst s1  }
0xa: {  	[smem:$0x3FB0] =	sst s2  }
0xb: {  	[smem:$0x3FB1] =	sst s3  }
0xc: {  	[smem:$0x3FB2] =	sst s4  }
0xd: {  	[smem:$0x3FB3] =	sst s5  }
0xe: {  	[smem:$0x3FB4] =	sst s6  }
0xf: {  	[smem:$0x3FB5] =	sst s7  }
0x10: {  	[smem:$0x3FB6] =	sst s8  }
0x11: {  	[smem:$0x3FB7] =	sst s9;
	s0 =	simm.s32 @!p0 $0x0  }
0x12: {  	s1 =	sld [smem:$0x3F9D];
	s0 =	simm.s32 @p0 $0x1  }
0x13: {  	[smem:$0x3FB8] =	sst s0;
	s0 =	simm.s32 @!p1 $0x0  }
0x14: {  	s2 =	sld [smem:$0x3F9C];
	s0 =	simm.s32 @p1 $0x1  }
0x15: {  	[smem:$0x3FB9] =	sst s0;
	s0 =	simm.s32 @!p2 $0x0  }
0x16: {  	s3 =	sld [smem:$0x3FDB];
	s0 =	simm.s32 @p2 $0x1  }
0x17: {  	s4 =	simm.s32 $0x1BF5;
	[smem:$0x3FBB] =	sst s0  }
0x18: {  	s0 =	sld [smem:$0x3F9E];
	_ =	swait.ge [sflag:s4], $0x0  }
0x19: {  	s7 =	sld [smem:$0x3F9F]  }
0x1a: {  	s8 =	sadd.s32 $0xFFFFE003, lr  }
0x1b: {  	s9 =	sadd.s32 $0xFFFFFEF7, lr;
	s5 =	simm.s32 $0xFFFFFFFF;
	p2 =	slt.u32 s8, $0xFFFFF086  }
0x1c: {  	p1 =	slt.u32 s9, $0xF7A;
	s5 =	simm.s32 @!p2 $0x0  }
0x1d: {  	s5 =	simm.s32 @p1 $0x1;
	p0 =	seq.s32 s7, s2  }
0x1e: {  	s7 =	smul.u32 @!p0 $0xF7A, s2;
	p2 =	seq.s32 @!p0 s5, $0x0  }
0x1f: {  	s9 =	smul.u32 $0xF7A, s1;
	s8 =	simm.s32 @!p0 $0x1BF5;
	p2 =	por !p2, p0  }
0x20: {  	[sflag:s8] =	ssyncset.s32 @!p0 $0xFFFFF086;
	s6 =	sadd.s32 @!p0 s3, s7;
	s7 =	simm.s32 @!p0 $0x108  }
0x21: {  	s3 =	sadd.s32 s3, s9;
	s6 =	sadd.s32 @!p0 $0x88, s6;
	s7 =	simm.s32 @p2 $0x1082  }
0x22: {  	[simem:s7], [sflag:s8] =	dma.local @!p0 [hbm:s6], $0xF7A  }
0x23: {  	s9 =	sor.u32 $0xD0000000, s2;
	s6 =	simm.s32 $0x108;
	_ =	swait.ge @!p0 [sflag:s8], $0x0  }
0x24: {  	s3 =	sadd.s32 $0x88, s3;
	s6 =	simm.s32 @!p1 $0x1082;
	[sflag:s4] =	ssyncset.s32 $0xFFFFF086  }
0x25: {  	[simem:s6], [sflag:s4] =	dma.local [hbm:s3], $0xF7A  }
0x26: {  	[smem:$0x3F9F] =	sst s1;
	(tag) =	ssettag s2;
	_ =	strace s9  }
0x27: {  	s1 =	sld [smem:$0x3FAF]  }
0x28: {  	s2 =	sld [smem:$0x3FB0]  }
0x29: {  	s4 =	sld [smem:$0x3FB2]  }
0x2a: {  	p0 =	seq.s32 s5, $0x0;
	s5 =	sld [smem:$0x3FB3]  }
0x2b: {  	s6 =	sld [smem:$0x3FB4]  }
0x2c: {  	s7 =	sld [smem:$0x3FB5]  }
0x2d: {  	s3 =	simm.s32 $0x108;
	s8 =	sld [smem:$0x3FB6]  }
0x2e: {  	s3 =	simm.s32 @!p0 $0x1082;
	s9 =	sld [smem:$0x3FB7]  }
0x2f: {  	lr =	sadd.s32 s0, s3;
	s0 =	sld [smem:$0x3FAE]  }
0x30: {  	s3 =	sld [smem:$0x3FB1]  }
0x31: {  	[smem:$0x3FBA] =	sst s10  }
0x32: {  	s10 =	sld [smem:$0x3FB8];
	_ =	sdelay $0x3  }
0x33: {  	p0 =	seq.s32 s10, $0x1;
	s10 =	sld [smem:$0x3FBA];
	_ =	sdelay $0x3  }
0x34: {  	[smem:$0x3FBA] =	sst s10  }
0x35: {  	s10 =	sld [smem:$0x3FB9];
	_ =	sdelay $0x3  }
0x36: {  	p1 =	seq.s32 s10, $0x1;
	s10 =	sld [smem:$0x3FBA];
	_ =	sdelay $0x3  }
0x37: {  	[smem:$0x3FBA] =	sst s10  }
0x38: {  	s10 =	sld [smem:$0x3FBB]  }
0x39: {  	_ = 	snop;
	(pc) =	sbr.ind lr, $3  }
0x3a: {  	_ = 	snop  }
0x3b: {  	_ = 	snop  }
0x3c: {  	p2 =	seq.s32 s10, $0x1;
	s10 =	sld [smem:$0x3FBA]  }
0x3d: {  	_ =	shalt  }
0x3e: {  	_ =	shalt  }
0x3f: {  	_ =	shalt  }
0x40: {  	_ =	shalt  }
0x41: {  	_ =	shalt  }
0x42: {  	_ =	shalt  }
0x43: {  	_ =	shalt  }
0x44: {  	_ =	shalt  }
0x45: {  	_ =	shalt  }
0x46: {  	_ =	shalt  }
0x47: {  	_ =	shalt  }
0x48: {  	_ =	shalt  }
0x49: {  	_ =	shalt  }
0x4a: {  	_ =	shalt  }
0x4b: {  	_ =	shalt  }
0x4c: {  	_ =	shalt  }
0x4d: {  	_ =	shalt  }
0x4e: {  	_ =	shalt  }
0x4f: {  	_ =	shalt  }
0x50: {  	_ =	shalt  }
0x51: {  	_ =	shalt  }
0x52: {  	_ =	shalt  }
0x53: {  	_ =	shalt  }
0x54: {  	_ =	shalt  }
0x55: {  	_ =	shalt  }
0x56: {  	_ =	shalt  }
0x57: {  	_ =	shalt  }
0x58: {  	_ =	shalt  }
0x59: {  	_ =	shalt  }
0x5a: {  	_ =	shalt  }
0x5b: {  	_ =	shalt  }
0x5c: {  	_ =	shalt  }
0x5d: {  	_ =	shalt  }
0x5e: {  	_ =	shalt  }
0x5f: {  	_ =	shalt  }
0x60: {  	_ =	shalt  }
0x61: {  	_ =	shalt  }
0x62: {  	_ =	shalt  }
0x63: {  	_ =	shalt  }
0x64: {  	_ =	shalt  }
0x65: {  	_ =	shalt  }
0x66: {  	_ =	shalt  }
0x67: {  	_ =	shalt  }
0x68: {  	_ =	shalt  }
0x69: {  	_ =	shalt  }
0x6a: {  	_ =	shalt  }
0x6b: {  	_ =	shalt  }
0x6c: {  	_ =	shalt  }
0x6d: {  	_ =	shalt  }
0x6e: {  	_ =	shalt  }
0x6f: {  	_ =	shalt  }
0x70: {  	_ =	shalt  }
0x71: {  	_ =	shalt  }
0x72: {  	_ =	shalt  }
0x73: {  	_ =	shalt  }
0x74: {  	_ =	shalt  }
0x75: {  	_ =	shalt  }
0x76: {  	_ =	shalt  }
0x77: {  	_ =	shalt  }
0x78: {  	_ =	shalt  }
0x79: {  	_ =	shalt  }
0x7a: {  	_ =	shalt  }
0x7b: {  	_ =	shalt  }
0x7c: {  	_ =	shalt  }
0x7d: {  	_ =	shalt  }
0x7e: {  	_ =	shalt  }
0x7f: {  	_ =	shalt  }
0x80: {  	_ =	shalt  }
0x81: {  	_ =	shalt  }
0x82: {  	_ =	shalt  }
0x83: {  	_ =	shalt  }
0x84: {  	_ =	shalt  }
0x85: {  	_ =	shalt  }
0x86: {  	_ =	shalt  }
0x87: {  	_ =	shalt  }
.Lfunc_end0:
.L_simem_size_0:
called_computation_lowered:
.L_overlay_start_0:
0x88: {  	s2 =	sld [smem:$0x3FD9]  }
0x89: {  	s3 =	sld [smem:$0x3FFE];
	_ =	sdelay $0x1  }
0x8a: {  	s1 =	srdreg.scid  }
0x8b: {  	s0 =	sand.u32 $0x1, s1  }
0x8c: {  	s17 =	sshll.u32 s0, $0xA;
	s2 =	sadd.s32 s3, s2  }
0x8d: {  	s2 =	sadd.s32 s2, s17  }
0x8e: {  	[smem:$0x3FC6] =	sst s2  }
0x8f: {  	_ = 	snop  }
0x90: {  	s2 =	sld [smem:$0x3FC9]  }
0x91: {  	s18 =	sld [smem:$0x3FD0];
	(tm) =	ssettm $0x1  }
0x92: {  	s4 =	sld [smem:$0x3FFB];
	_ =	sdelay $0x3  }
0x93: {  	_ =	strace s4  }
0x94: {  	s4 =	sld [smem:$0x3FFC];
	_ =	sdelay $0x3  }
0x95: {  	_ =	strace s4  }
0x96: {  	s4 =	sld [smem:$0x3FFD];
	_ =	sdelay $0x3  }
0x97: {  	_ =	strace s4  }
0x98: {  	_ =	strace $0x8FFFFFFF  }
0x99: {  	s19 =	sld [smem:$0x3FDB];
	_ =	sdelay $0x1  }
0x9a: {  	s5 =	simm.s32 $_scs_section_size  }
0x9b: {  	s6 =	simm.s32 $_size__tile_overlayer_lowered;
	s7 =	simm.s32 $_tile_overlayer_lowered  }
0x9c: {  	s22 =	simm.s32 $0x1BFF;
	s21 =	sshll.u32 s7, $0x1;
	s4 =	sadd.s32 s5, s19  }
0x9d: {  	s8 =	simm.s32 $0x0;
	s20 =	sshll.u32 s6, $0x1;
	s6 =	sadd.s32 s21, s4  }
0x9e: {  	[timem:s8], [sflag:s22] =	dma.local [hbm:s6], s20  }
0x9f: {  	_ =	swait.ge [sflag:s22], s20  }
0xa0: {  	s5 =	ssub.s32 $0x0, s20;
	[sflag:s22] =	ssyncset.done $0x0  }
0xa1: {  	[sflag:s22] =	ssyncadd.s32 s5;
	_ =	sdelay $0x1  }
0xa2: {  	s23 =	simm.s32 $0x1B8B  }
0xa3: {  	_ =	swait.ge [sflag:s23], $0x1  }
0xa4: {  	[sflag:s23] =	ssyncset.done $0x0  }
0xa5: {  	s25 =	simm.s32 $0x1B8E;
	s24 =	sld [smem:$0x3FFE];
	[sflag:s23] =	ssyncadd.s32 $0xFFFFFFFF  }
0xa6: {  	s26 =	simm.s32 $execute0_lowered;
	[smem:$0x3FD2] =	sst s25  }
0xa7: {  	s6 =	sshll.u32 s26, $0x1;
	_ =	strace $0x80000046;
	[dreg:$0x1] =	wrdreg $0xFFFFFFFF  }
0xa8: {  	s28 =	simm.s32 $_size_execute0_lowered;
	s4 =	sadd.s32 s4, s6;
	[dreg:$0x0] =	wrdreg $0x0  }
0xa9: {  	s6 =	sshll.u32 s28, $0x1;
	[dreg:$0x2] =	wrdreg s4  }
0xaa: {  	[dreg:$0x3] =	wrdreg s6  }
0xab: {  	[dreg:$0x4] =	wrdreg $0xC0  }
0xac: {  	_ =	task [dreg:s8], $0x5FFFF  }
0xad: {  	[dreg:$0x1] =	wrdreg $0xFFFFFFFF  }
0xae: {  	[dreg:$0x0] =	wrdreg $0x60  }
0xaf: {  	[dreg:$0x2] =	wrdreg s2  }
0xb0: {  	[dreg:$0x3] =	wrdreg s18  }
0xb1: {  	[dreg:$0x4] =	wrdreg s24  }
0xb2: {  	[dreg:$0x5] =	wrdreg $0xA8000  }
0xb3: {  	[dreg:$0x6] =	wrdreg $0x9  }
0xb4: {  	_ =	task.clear_ibuf [dreg:s8], $0x7FFFF;
	_ =	strace $0x90000046  }
0xb5: {  	s29 =	simm.s32 $0x9;
	_ =	strace $0x80000048  }
0xb6: {  	_ =	swait.ge [sflag:s29], $0x1  }
0xb7: {  	[sflag:s29] =	ssyncadd.s32 $0xFFFFFFFF  }
0xb8: {  	_ =	strace $0x90000048  }
0xb9: {  	_ =	sfence  }
0xba: {  	s30 =	sld [smem:$0x0];
	_ =	sdelay $0x2  }
0xbb: {  	s31 =	sshll.u32 s1, $0xD;
	s1 =	sshrl.u32 s1, $0x2  }
0xbc: {  	s3 =	sand.u32 $0x4000, s31;
	s1 =	sadd.s32 s1, s30  }
0xbd: {  	s0 =	sor.u32 s3, s0;
	s1 =	sshll.u32 s1, $0x11  }
0xbe: {  	s0 =	sor.u32 s1, s0  }
0xbf: {  	s0 =	sadd.s32 $0x8F2B, s0  }
0xc0: {  	[sflag:s0] =	ssyncadd.remote.s32 $0x1  }
0xc1: {  	_ =	sfence.sel $0xFFFF  }
0xc2: {  	[dreg:$0x0] =	wrdreg $0xFFFFFFFF;
	(pc) =	sbr.abs _section_cstart, $3  }
0xc3: {  	[dreg:$0x1] =	wrdreg $0xFFFFFFFF  }
0xc4: {  	_ =	task.clear_ibuf [dreg:s8], $0x2FFFF;
	_ =	strace $0x9FFFFFFF  }
0xc5: {  	(tm) =	ssettm $0x7FFFFFFF  }
tec
execute0_lowered:
.L_overlay_start_1:
0x0: {  	(tag) =	ssettag $0x1  }
0x1: {  	s0 =	rddreg [dreg:$0x0]  }
0x2: {  	s5 =	rddreg [dreg:$0x1]  }
0x3: {  	s6 =	rddreg [dreg:$0x2]  }
0x4: {  	s1 =	srdreg.scid;
	s3 =	rddreg [dreg:$0x3]  }
0x5: {  	s17 =	simm.s32 $0x3;
	s18 =	simm.s32 $0x1400;
	s19 =	simm.s32 $0x2800  }
0x6: {  	s20 =	simm.s32 $0x7D;
	s21 =	simm.s32 $0x80;
	s7 =	sand.u32 $0x1, s1  }
0x7: {  	s22 =	simm.s32 $0x6800;
	s1 =	stileid.u32;
	s8 =	smul.u32 $0x140000, s7  }
0x8: {  	s23 =	simm.s32 $0x1;
	s24 =	simm.s32 $0x2;
	s9 =	smul.u32 $0x14000, s1  }
0x9: {  	s28 =	simm.s32 $0x0;
	s4 =	sshll.u32 s1, $0x1;
	s26 =	smul.u32 $0x50000, s1  }
0xa: {  	s29 =	ssub.s32 $0x2, s7;
	s10 =	sor.u32 s7, s4;
	s4 =	simm.s32 $0x0  }
0xb: {  	s7 =	sshrl.u32 s29, $0x1;
	s8 =	sadd.s32 s9, s8;
	s25 =	smul.u32 $0x2800, s10  }
0xc: {  	[smem:$0x7FF] =	sst s4;
	s31 =	sshrl.u32 s26, $0x2;
	s16 =	ssub.s32 s29, s7  }
0xd: {  	s26 =	simm.s32 $0x2780;
	s8 =	sshrl.u32 s8, $0x3;
	_ =	strace $0x80000047  }
0xe: {  	s16 =	smax.u32 s16, $0x1;
	s15 =	sadd.s32 s8, s6;
	s30 =	sshrl.u32 s25, $0x3  }
0xf: {  	s6 =	sadd.s32 s31, s3;
	s25 =	simm.s32 $0x2700;
	s5 =	sadd.s32 s5, s30  }
0x10: {  	s8 =	sadd.s32 $0x3E80, s6;
	s9 =	sadd.s32 $0x7D00, s6;
	s10 =	sadd.s32 $0xBB80, s6  }
0x11: {  	s11 =	sadd.s32 $0xFA00, s6;
	s12 =	sadd.s32 $0x13880, s6;
	s15 =	sadd.s32 $0x1600, s15  }
0x12: {  	v0 =	vimm.f32 $0.0e+00;
	s7 =	sadd.s32 $0xA000, s5;
	s13 =	sadd.s32 $0x280, s5;
	s14 =	sadd.s32 $0xA280, s5  }
.LBB2_1:
0x13: {  	[tilespmem:s4], [sflag:$0x3] =	stream.linear.gather [hbm4b:s5+s4], $0x1400, $0x38;
	[tilespmem:$0x1E800] =	vst v63  }
0x14: {  	_ =	swait.ge [sflag:s17], $0x1400  }
0x15: {  	[sflag:s17] =	ssyncset.done $0x0  }
0x16: {  	[sflag:s17] =	ssyncadd.s32 $0xFFFFEC00  }
0x17: {  	[tilespmem:s18], [sflag:$0x3] =	stream.linear.gather [hbm4b:s7+s4], $0x1400, $0x38;
	[tilespmem:$0x1E800] =	vst v63  }
0x18: {  	s29 =	sand.u32 $0xFE00, s4;
	s30 =	sand.u32 $0x70, s4;
	_ =	swait.ge [sflag:s17], $0x1400  }
0x19: {  	s31 =	sshrl.u32 s29, $0x2;
	s29 =	simm.s32 $0x40;
	[sflag:s17] =	ssyncset.done $0x0  }
0x1a: {  	s31 =	sor.u32 s30, s31;
	s30 =	simm.s32 $0x0;
	[sflag:s17] =	ssyncadd.s32 $0xFFFFEC00  }
.LBB2_2:
0x1b: {  	p0 =	sne.s32 s29, $0xF9C0  }
0x1c: {  	[tilespmem:s31+$0x2800] =	vst v0;
	s30 =	sadd.s32 $0x10, s30;
	s31 =	smov.u32 s29;
	s29 =	sadd.s32 $0x40, s29  }
.Ltmp0:
0x1d: {  	(pc) =	sbr.rel @p0 .LBB2_2-.Ltmp0, $4  }
0x1e: {  	_ = 	snop  }
0x1f: {  	s31 =	sand.u32 $0xFE00, s31  }
0x20: {  	s2 =	sand.u32 $0x70, s30;
	s31 =	sshrl.u32 s31, $0x2  }
0x21: {  	s31 =	sor.u32 s2, s31  }
0x22: {  	[tilespmem:s31+$0x2800] =	vst v0  }
0x23: {  	[spmem:s6] =	stream.linear.scatter [tilespmem:s19], [sflag:$0x3], $0x3E80, $0x38;
	[tilespmem:$0x1E800] =	vst v63  }
0x24: {  	_ =	swait.ge [sflag:s17], $0x3E80  }
0x25: {  	[sflag:s17] =	ssyncset.done $0x0  }
0x26: {  	[sflag:s17] =	ssyncadd.s32 $0xFFFFC180  }
0x27: {  	[spmem:s8] =	stream.linear.scatter [tilespmem:s19], [sflag:$0x3], $0x3E80, $0x38;
	[tilespmem:$0x1E800] =	vst v63  }
0x28: {  	_ =	swait.ge [sflag:s17], $0x3E80  }
0x29: {  	[sflag:s17] =	ssyncset.done $0x0  }
0x2a: {  	[sflag:s17] =	ssyncadd.s32 $0xFFFFC180  }
0x2b: {  	[spmem:s9] =	stream.linear.scatter [tilespmem:s19], [sflag:$0x3], $0x3E80, $0x38;
	[tilespmem:$0x1E800] =	vst v63  }
0x2c: {  	_ =	swait.ge [sflag:s17], $0x3E80  }
0x2d: {  	[sflag:s17] =	ssyncset.done $0x0  }
0x2e: {  	[sflag:s17] =	ssyncadd.s32 $0xFFFFC180  }
0x2f: {  	[spmem:s10] =	stream.linear.scatter [tilespmem:s19], [sflag:$0x3], $0x3E80, $0x38;
	[tilespmem:$0x1E800] =	vst v63  }
0x30: {  	_ =	swait.ge [sflag:s17], $0x3E80  }
0x31: {  	[sflag:s17] =	ssyncset.done $0x0  }
0x32: {  	[sflag:s17] =	ssyncadd.s32 $0xFFFFC180  }
0x33: {  	[spmem:s11] =	stream.linear.scatter [tilespmem:s19], [sflag:$0x3], $0x3E80, $0x38;
	[tilespmem:$0x1E800] =	vst v63  }
0x34: {  	_ =	swait.ge [sflag:s17], $0x3E80  }
0x35: {  	[sflag:s17] =	ssyncset.done $0x0  }
0x36: {  	[sflag:s17] =	ssyncadd.s32 $0xFFFFC180  }
0x37: {  	[spmem:s12] =	stream.linear.scatter [tilespmem:s19], [sflag:$0x3], $0x780, $0x38;
	[tilespmem:$0x1E800] =	vst v63  }
0x38: {  	_ =	swait.ge [sflag:s17], $0x780  }
0x39: {  	[sflag:s17] =	ssyncset.done $0x0  }
0x3a: {  	[sflag:s17] =	ssyncadd.s32 $0xFFFFF880  }
0x3b: {  	s2 =	simm.s32 $0x0;
	[bflag:$0x0] =	sbarrier.arrive $0xFFFF  }
0x3c: {  	[tilespmem:s19], [sflag:$0x1] =	stream.indirect.gather [hbm4b:s0+s20], $0x80, s2, s20, $0xb8;
	[tilespmem:$0x1E800] =	vst v63  }
0x3d: {  	_ = 	snop  }
0x3e: {  	[tilespmem:s22], [sflag:$0x2] =	stream.indirect.gather [hbm4b:s0+s20], $0x80, s21, s20, $0xb8;
	[tilespmem:$0x1E800] =	vst v63  }
0x3f: {  	_ =	swait.ge [sflag:s23], $0x3E80  }
0x40: {  	[sflag:s23] =	ssyncset.done $0x0  }
0x41: {  	s31 =	simm.s32 $0x1400;
	[sflag:s23] =	ssyncadd.s32 $0xFFFFC180  }
0x42: {  	[spmem:s3] =	stream.indirect.scatter.add.f32 [tilespmem:s19], [sflag:$0x3], $0x80, s31, s20, $0xb8;
	[tilespmem:$0x1E800] =	vst v63  }
0x43: {  	_ =	swait.ge [sflag:s17], $0x3E80  }
0x44: {  	[sflag:s17] =	ssyncset.done $0x0  }
0x45: {  	s31 =	simm.s32 $0x100;
	[sflag:s17] =	ssyncadd.s32 $0xFFFFC180  }
0x46: {  	[tilespmem:s19], [sflag:$0x1] =	stream.indirect.gather [hbm4b:s0+s20], $0x80, s31, s20, $0xb8;
	[tilespmem:$0x1E800] =	vst v63  }
0x47: {  	_ =	swait.ge [sflag:s24], $0x3E80  }
0x48: {  	[sflag:s24] =	ssyncset.done $0x0  }
0x49: {  	s31 =	simm.s32 $0x1480;
	[sflag:s24] =	ssyncadd.s32 $0xFFFFC180  }
0x4a: {  	[spmem:s3] =	stream.indirect.scatter.add.f32 [tilespmem:s22], [sflag:$0x3], $0x80, s31, s20, $0xb8;
	[tilespmem:$0x1E800] =	vst v63  }
0x4b: {  	_ =	swait.ge [sflag:s17], $0x3E80  }
0x4c: {  	[sflag:s17] =	ssyncset.done $0x0  }
0x4d: {  	s29 =	simm.s32 $0x400;
	s30 =	simm.s32 $0x180;
	[sflag:s17] =	ssyncadd.s32 $0xFFFFC180  }
.LBB2_4:
0x4e: {  	[tilespmem:s22], [sflag:$0x2] =	stream.indirect.gather [hbm4b:s0+s20], $0x80, s30, s20, $0xb8;
	[tilespmem:$0x1E800] =	vst v63  }
0x4f: {  	s2 =	smov.u32 s29  }
0x50: {  	p0 =	sne.s32 s29, $0x4800;
	s29 =	sadd.s32 $0x400, s29;
	_ =	swait.ge [sflag:s23], $0x3E80  }
0x51: {  	s2 =	sshra.s32 s2, $0x2;
	[sflag:s23] =	ssyncset.done $0x0  }
0x52: {  	s30 =	sadd.s32 $0x1400, s2;
	[sflag:s23] =	ssyncadd.s32 $0xFFFFC180  }
0x53: {  	[spmem:s3] =	stream.indirect.scatter.add.f32 [tilespmem:s19], [sflag:$0x3], $0x80, s30, s20, $0xb8;
	[tilespmem:$0x1E800] =	vst v63  }
0x54: {  	_ =	swait.ge [sflag:s17], $0x3E80  }
0x55: {  	[sflag:s17] =	ssyncset.done $0x0  }
0x56: {  	s30 =	sadd.s32 $0x100, s2;
	[sflag:s17] =	ssyncadd.s32 $0xFFFFC180  }
0x57: {  	[tilespmem:s19], [sflag:$0x1] =	stream.indirect.gather [hbm4b:s0+s20], $0x80, s30, s20, $0xb8;
	[tilespmem:$0x1E800] =	vst v63  }
0x58: {  	_ =	swait.ge [sflag:s24], $0x3E80  }
0x59: {  	[sflag:s24] =	ssyncset.done $0x0  }
.Ltmp1:
0x5a: {  	s30 =	sadd.s32 $0x1480, s2;
	[sflag:s24] =	ssyncadd.s32 $0xFFFFC180;
	(pc) =	sbr.rel @p0 .LBB2_4-.Ltmp1, $4  }
0x5b: {  	[spmem:s3] =	stream.indirect.scatter.add.f32 [tilespmem:s22], [sflag:$0x3], $0x80, s30, s20, $0xb8;
	[tilespmem:$0x1E800] =	vst v63  }
0x5c: {  	_ =	swait.ge [sflag:s17], $0x3E80  }
0x5d: {  	[sflag:s17] =	ssyncset.done $0x0  }
0x5e: {  	s30 =	sadd.s32 $0x180, s2;
	[sflag:s17] =	ssyncadd.s32 $0xFFFFC180  }
0x5f: {  	[tilespmem:s22], [sflag:$0x2] =	stream.indirect.gather [hbm4b:s0+s20], $0x80, s30, s20, $0xb8;
	[tilespmem:$0x1E800] =	vst v63  }
0x60: {  	_ =	swait.ge [sflag:s23], $0x3E80  }
0x61: {  	[sflag:s23] =	ssyncset.done $0x0  }
0x62: {  	[sflag:s23] =	ssyncadd.s32 $0xFFFFC180  }
0x63: {  	[spmem:s3] =	stream.indirect.scatter.add.f32 [tilespmem:s19], [sflag:$0x3], $0x80, s25, s20, $0xb8;
	[tilespmem:$0x1E800] =	vst v63  }
0x64: {  	_ =	swait.ge [sflag:s17], $0x3E80  }
0x65: {  	[sflag:s17] =	ssyncset.done $0x0  }
0x66: {  	[sflag:s17] =	ssyncadd.s32 $0xFFFFC180  }
0x67: {  	_ =	swait.ge [sflag:s24], $0x3E80  }
0x68: {  	[sflag:s24] =	ssyncset.done $0x0  }
0x69: {  	[sflag:s24] =	ssyncadd.s32 $0xFFFFC180  }
0x6a: {  	[spmem:s3] =	stream.indirect.scatter.add.f32 [tilespmem:s22], [sflag:$0x3], $0x80, s26, s20, $0xb8;
	[tilespmem:$0x1E800] =	vst v63  }
0x6b: {  	_ =	swait.ge [sflag:s17], $0x3E80  }
0x6c: {  	[sflag:s17] =	ssyncset.done $0x0  }
0x6d: {  	s2 =	simm.s32 $0x0;
	[sflag:s17] =	ssyncadd.s32 $0xFFFFC180  }
0x6e: {  	[tilespmem:s2], [sflag:$0x3] =	stream.linear.gather [hbm4b:s13+s2], $0x1400, $0x38;
	[tilespmem:$0x1E800] =	vst v63  }
0x6f: {  	_ =	swait.ge [sflag:s17], $0x1400  }
0x70: {  	[sflag:s17] =	ssyncset.done $0x0  }
0x71: {  	[sflag:s17] =	ssyncadd.s32 $0xFFFFEC00  }
0x72: {  	[tilespmem:s18], [sflag:$0x3] =	stream.linear.gather [hbm4b:s14+s2], $0x1400, $0x38;
	[tilespmem:$0x1E800] =	vst v63  }
0x73: {  	_ =	swait.ge [sflag:s17], $0x1400  }
0x74: {  	[sflag:s17] =	ssyncset.done $0x0  }
0x75: {  	[sflag:s17] =	ssyncadd.s32 $0xFFFFEC00  }
0x76: {  	[tilespmem:s19], [sflag:$0x1] =	stream.indirect.gather [hbm4b:s0+s20], $0x80, s2, s20, $0xb8;
	[tilespmem:$0x1E800] =	vst v63  }
0x77: {  	_ = 	snop  }
0x78: {  	[tilespmem:s22], [sflag:$0x2] =	stream.indirect.gather [hbm4b:s0+s20], $0x80, s21, s20, $0xb8;
	[tilespmem:$0x1E800] =	vst v63  }
0x79: {  	_ =	swait.ge [sflag:s23], $0x3E80  }
0x7a: {  	[sflag:s23] =	ssyncset.done $0x0  }
0x7b: {  	s31 =	simm.s32 $0x1400;
	[sflag:s23] =	ssyncadd.s32 $0xFFFFC180  }
0x7c: {  	[spmem:s3] =	stream.indirect.scatter.add.f32 [tilespmem:s19], [sflag:$0x3], $0x80, s31, s20, $0xb8;
	[tilespmem:$0x1E800] =	vst v63  }
0x7d: {  	_ =	swait.ge [sflag:s17], $0x3E80  }
0x7e: {  	[sflag:s17] =	ssyncset.done $0x0  }
0x7f: {  	s31 =	simm.s32 $0x100;
	[sflag:s17] =	ssyncadd.s32 $0xFFFFC180  }
0x80: {  	[tilespmem:s19], [sflag:$0x1] =	stream.indirect.gather [hbm4b:s0+s20], $0x80, s31, s20, $0xb8;
	[tilespmem:$0x1E800] =	vst v63  }
0x81: {  	_ =	swait.ge [sflag:s24], $0x3E80  }
0x82: {  	[sflag:s24] =	ssyncset.done $0x0  }
0x83: {  	s31 =	simm.s32 $0x1480;
	[sflag:s24] =	ssyncadd.s32 $0xFFFFC180  }
0x84: {  	[spmem:s3] =	stream.indirect.scatter.add.f32 [tilespmem:s22], [sflag:$0x3], $0x80, s31, s20, $0xb8;
	[tilespmem:$0x1E800] =	vst v63  }
0x85: {  	_ =	swait.ge [sflag:s17], $0x3E80  }
0x86: {  	[sflag:s17] =	ssyncset.done $0x0  }
0x87: {  	s29 =	simm.s32 $0x400;
	s30 =	simm.s32 $0x180;
	[sflag:s17] =	ssyncadd.s32 $0xFFFFC180  }
.LBB2_6:
0x88: {  	[tilespmem:s22], [sflag:$0x2] =	stream.indirect.gather [hbm4b:s0+s20], $0x80, s30, s20, $0xb8;
	[tilespmem:$0x1E800] =	vst v63  }
0x89: {  	s2 =	smov.u32 s29  }
0x8a: {  	p0 =	sne.s32 s29, $0x4800;
	s29 =	sadd.s32 $0x400, s29;
	_ =	swait.ge [sflag:s23], $0x3E80  }
0x8b: {  	s2 =	sshra.s32 s2, $0x2;
	[sflag:s23] =	ssyncset.done $0x0  }
0x8c: {  	s30 =	sadd.s32 $0x1400, s2;
	[sflag:s23] =	ssyncadd.s32 $0xFFFFC180  }
0x8d: {  	[spmem:s3] =	stream.indirect.scatter.add.f32 [tilespmem:s19], [sflag:$0x3], $0x80, s30, s20, $0xb8;
	[tilespmem:$0x1E800] =	vst v63  }
0x8e: {  	_ =	swait.ge [sflag:s17], $0x3E80  }
0x8f: {  	[sflag:s17] =	ssyncset.done $0x0  }
0x90: {  	s30 =	sadd.s32 $0x100, s2;
	[sflag:s17] =	ssyncadd.s32 $0xFFFFC180  }
0x91: {  	[tilespmem:s19], [sflag:$0x1] =	stream.indirect.gather [hbm4b:s0+s20], $0x80, s30, s20, $0xb8;
	[tilespmem:$0x1E800] =	vst v63  }
0x92: {  	_ =	swait.ge [sflag:s24], $0x3E80  }
0x93: {  	[sflag:s24] =	ssyncset.done $0x0  }
.Ltmp2:
0x94: {  	s30 =	sadd.s32 $0x1480, s2;
	[sflag:s24] =	ssyncadd.s32 $0xFFFFC180;
	(pc) =	sbr.rel @p0 .LBB2_6-.Ltmp2, $4  }
0x95: {  	[spmem:s3] =	stream.indirect.scatter.add.f32 [tilespmem:s22], [sflag:$0x3], $0x80, s30, s20, $0xb8;
	[tilespmem:$0x1E800] =	vst v63  }
0x96: {  	_ =	swait.ge [sflag:s17], $0x3E80  }
0x97: {  	[sflag:s17] =	ssyncset.done $0x0  }
0x98: {  	s30 =	sadd.s32 $0x180, s2;
	[sflag:s17] =	ssyncadd.s32 $0xFFFFC180  }
0x99: {  	[tilespmem:s22], [sflag:$0x2] =	stream.indirect.gather [hbm4b:s0+s20], $0x80, s30, s20, $0xb8;
	[tilespmem:$0x1E800] =	vst v63  }
0x9a: {  	_ =	swait.ge [sflag:s23], $0x3E80  }
0x9b: {  	[sflag:s23] =	ssyncset.done $0x0  }
0x9c: {  	[sflag:s23] =	ssyncadd.s32 $0xFFFFC180  }
0x9d: {  	[spmem:s3] =	stream.indirect.scatter.add.f32 [tilespmem:s19], [sflag:$0x3], $0x80, s25, s20, $0xb8;
	[tilespmem:$0x1E800] =	vst v63  }
0x9e: {  	_ =	swait.ge [sflag:s17], $0x3E80  }
0x9f: {  	[sflag:s17] =	ssyncset.done $0x0  }
0xa0: {  	[sflag:s17] =	ssyncadd.s32 $0xFFFFC180  }
0xa1: {  	_ =	swait.ge [sflag:s24], $0x3E80  }
0xa2: {  	[sflag:s24] =	ssyncset.done $0x0  }
0xa3: {  	[sflag:s24] =	ssyncadd.s32 $0xFFFFC180  }
0xa4: {  	[spmem:s3] =	stream.indirect.scatter.add.f32 [tilespmem:s22], [sflag:$0x3], $0x80, s26, s20, $0xb8;
	[tilespmem:$0x1E800] =	vst v63  }
0xa5: {  	_ =	swait.ge [sflag:s17], $0x3E80  }
0xa6: {  	s2 =	sshll.u32 s1, $0x6;
	s28 =	sadd.s32 $0x1, s28;
	[sflag:s17] =	ssyncset.done $0x0  }
0xa7: {  	s29 =	sshrl.u32 s6, $0x3;
	p0 =	sne.s32 s28, s16;
	[sflag:s17] =	ssyncadd.s32 $0xFFFFC180  }
.Ltmp3:
0xa8: {  	s2 =	sor.u32 $0x1C03, s2;
	[bflag:$0x0] =	sbarrier.arrive $0xFFFF;
	(pc) =	sbr.rel @p0 .LBB2_1-.Ltmp3, $4  }
0xa9: {  	[hbm:s15], [sflag:s2] =	dma.local [spmem:s29], $0x2800  }
0xaa: {  	_ =	swait.ge [sflag:s17], $0x2800  }
0xab: {  	[sflag:s17] =	ssyncset.done $0x0  }
0xac: {  	[sflag:s17] =	ssyncadd.s32 $0xFFFFD800  }
0xad: {  	_ =	sfence.sel $0x180000  }
0xae: {  	[bflag:$0x0] =	sbarrier.arrive $0xFFFF  }
0xaf: {  	_ =	strace $0x90000047  }
0xb0: {  	[bflag:$0x2] =	sbarrier.arrive $0xFFFF  }
0xb1: {  	p0 =	sne.s32 s1, $0x0;
	s0 =	rddreg [dreg:$0x4]  }
0xb2: {  	s0 =	sadd.s32 @!p0 $0x100000, s0  }
0xb3: {  	[sflag:s0] =	ssyncadd.tile.s32 @!p0 $0x1;
	_ =	shalt  }
.Lfunc_end2:
_tile_overlayer_lowered:
.L_overlay_start_2:
0xb4: {  	(tag) =	ssettag $0x2  }
0xb5: {  	s0 =	rddreg [dreg:$0x0];
	s2 =	stileid.u32  }
0xb6: {  	s1 =	rddreg [dreg:$0x1];
	p0 =	sne.s32 s2, $0x0  }
0xb7: {  	s3 =	rddreg [dreg:$0x2];
	[bflag:$0x3] =	sbarrier.arrive $0xFFFF;
	s2 =	simm.s32 @!p0 $0x1C03  }
0xb8: {  	[timem:s3], [sflag:s2] =	dma.local @!p0 [hbm:s0], s1  }
0xb9: {  	s0 =	simm.s32 @!p0 $0x3  }
0xba: {  	_ =	swait.ge @!p0 [sflag:s0], s1  }
0xbb: {  	s1 =	ssub.s32 @!p0 $0x0, s1;
	[sflag:s0] =	ssyncset.done @!p0 $0x0  }
0xbc: {  	[sflag:s0] =	ssyncadd.s32 @!p0 s1  }
0xbd: {  	[bflag:$0x3] =	sbarrier.arrive $0xFFFF  }
0xbe: {  	_ =	shalt  }

</sc_bundles>
